<compile_context>
chip_gen: v7x
topology: tpu7x:2x2x1
jax: 0.10.2.dev20260603
libtpu: 0.0.44.dev20260713+nightly
codegen_flags: <defaults>
</compile_context>

<pallas_src>
import jax
import jax.numpy as jnp
from jax import lax
from jax.experimental import pallas as pl
from jax.experimental.pallas import tpu as pltpu
from jax.experimental.pallas import tpu_sc as plsc

B, N, M, K = 4, 8192, 2048, 32
Q = B * M
CIN = 16
CPAD = 32
RADIUS = 0.2
R2 = RADIUS * RADIUS
EPS = 1e-5
COUT1, COUT2 = 32, 64

NC, NS, LANES = 2, 16, 16
NW = NC * NS
QPW = Q // NW
NCH = N // LANES
GCH = 128
NGC = (K * QPW) // GCH


def _bf16_round(x):
    u = plsc.bitcast(x, jnp.int32)
    u = (u + 0x7FFF + ((u >> 16) & 1)) & jnp.int32(~0xFFFF)
    return plsc.bitcast(u, jnp.float32)


def _sc_body(q_hbm, src_hbm, srcx_hbm,
             x_hbm,
             sxr, syr, szr, qxr, qyr, qzr,
             sxb, syb, szb, sqs,
             idxbuf, gidx, fstage, fstage2, fshared, sem, sem2, sem3):
    s_id = lax.axis_index("s")
    c_id = lax.axis_index("c")
    w = c_id * NS + s_id
    qbase = w * QPW
    b = qbase // M
    bloc = b - 2 * c_id

    RPS = (2 * N) // NS
    stage_dst = pl.ds(s_id * RPS, RPS)
    stage_src = pl.ds(c_id * 2 * N + s_id * RPS, RPS)
    pltpu.async_copy(srcx_hbm.at[stage_src], fshared.at[stage_dst], sem3)

    pltpu.sync_copy(src_hbm.at[pl.ds((b * 3 + 0) * N, N)], sxr)
    pltpu.sync_copy(src_hbm.at[pl.ds((b * 3 + 1) * N, N)], syr)
    pltpu.sync_copy(src_hbm.at[pl.ds((b * 3 + 2) * N, N)], szr)
    pltpu.sync_copy(q_hbm.at[pl.ds(0 * Q + qbase, QPW)], qxr)
    pltpu.sync_copy(q_hbm.at[pl.ds(1 * Q + qbase, QPW)], qyr)
    pltpu.sync_copy(q_hbm.at[pl.ds(2 * Q + qbase, QPW)], qzr)

    lane = lax.iota(jnp.int32, LANES)
    bN = bloc * N

    def prep(c, carry):
        sl = pl.ds(c * LANES, LANES)
        sx, sy, sz = sxr[sl], syr[sl], szr[sl]
        sxb[sl] = _bf16_round(sx)
        syb[sl] = _bf16_round(sy)
        szb[sl] = _bf16_round(sz)
        sqs[sl] = (sx * sx + sy * sy) + sz * sz
        return carry

    lax.fori_loop(0, NCH, prep, 0)

    UNROLL = 4
    NGR = NCH // UNROLL

    def per_query(i, carry):
        iv = jnp.full((LANES,), 0, jnp.int32) + i
        qxv = plsc.load_gather(qxr, [iv])
        qyv = plsc.load_gather(qyr, [iv])
        qzv = plsc.load_gather(qzr, [iv])
        qxb = _bf16_round(qxv)
        qyb = _bf16_round(qyv)
        qzb = _bf16_round(qzv)
        sqq = (qxv * qxv + qyv * qyv) + qzv * qzv
        ibase_v = jnp.full((LANES,), 0, jnp.int32) + i * K + lane

        def cond(st):
            c, cnt = st
            return (c < NGR) & jnp.any(cnt < K)

        def body(st):
            c, cnt = st
            base = c * (LANES * UNROLL)
            for j in range(UNROLL):
                sl = pl.ds(base + j * LANES, LANES)
                t = qxb * sxb[sl] + qyb * syb[sl] + qzb * szb[sl]
                d2 = (sqq + sqs[sl]) - 2.0 * t
                m = d2 < R2
                pos = plsc.cumsum(m.astype(jnp.int32))
                newcnt = cnt + pos
                take = m & (newcnt <= K)
                slot = (ibase_v - lane) + cnt + pos - 1
                idxv = base + j * LANES + lane
                plsc.store_scatter(idxbuf, [slot], idxv, mask=take)
                cnt = cnt + plsc.all_reduce_population_count(m)
            return (c + 1, jnp.minimum(cnt, K))

        z = jnp.int32(0)
        zv = jnp.zeros((LANES,), jnp.int32)
        _, cntv = lax.while_loop(cond, body, (z, zv))

        first0 = plsc.load_gather(idxbuf, [ibase_v - lane])
        firstv = jnp.where(cntv > 0, first0, 0)
        for j in range(K // LANES):
            sl = pl.ds(i * K + j * LANES, LANES)
            kv = j * LANES + lane
            gi = jnp.where(kv < cntv, idxbuf[sl], firstv)
            idxbuf[sl] = gi
            flat = kv * QPW + i
            plsc.store_scatter(gidx, [flat >> 7, flat & (GCH - 1)], gi + bN)
        return carry

    lax.fori_loop(0, QPW, per_query, 0)

    nq = QPW // GCH
    HALF = NGC // 2

    def _compute_and_write(r, buf):
        k_r = r // nq
        qoff = (r % nq) * GCH
        for j in range(GCH // LANES):
            rowv = j * LANES + lane
            gi = gidx[r, pl.ds(j * LANES, LANES)] - bN
            qsl = pl.ds(qoff + j * LANES, LANES)
            cx = plsc.load_gather(sxr, [gi]) - qxr[qsl]
            cy = plsc.load_gather(syr, [gi]) - qyr[qsl]
            cz = plsc.load_gather(szr, [gi]) - qzr[qsl]
            plsc.store_scatter(buf, [rowv, jnp.full((LANES,), CIN, jnp.int32)], cx)
            plsc.store_scatter(buf, [rowv, jnp.full((LANES,), CIN + 1, jnp.int32)], cy)
            plsc.store_scatter(buf, [rowv, jnp.full((LANES,), CIN + 2, jnp.int32)], cz)
        pltpu.sync_copy(buf, x_hbm.at[k_r, pl.ds(qbase + qoff, GCH)])

    pltpu.make_async_copy(srcx_hbm.at[stage_src], fshared.at[stage_dst], sem3).wait()
    plsc.subcore_barrier()

    pltpu.async_copy(fshared.at[gidx.at[0]], fstage, sem)

    def out_group(g, carry):
        r0 = 2 * g
        r1 = r0 + 1
        pltpu.async_copy(fshared.at[gidx.at[r1]], fstage2, sem2)
        pltpu.make_async_copy(fshared.at[gidx.at[r0]], fstage, sem).wait()
        _compute_and_write(r0, fstage)

        @pl.when(g + 1 < HALF)
        def _():
            pltpu.async_copy(fshared.at[gidx.at[r0 + 2]], fstage, sem)

        pltpu.make_async_copy(fshared.at[gidx.at[r1]], fstage2, sem2).wait()
        _compute_and_write(r1, fstage2)
        return carry

    lax.fori_loop(0, HALF, out_group, 0)


def _sc_group(q_soa, src_soa, srcx32):
    mesh = plsc.VectorSubcoreMesh(core_axis_name="c", subcore_axis_name="s",
                                  num_cores=NC, num_subcores=NS)
    return pl.kernel(
        _sc_body,
        out_type=jax.ShapeDtypeStruct((K, Q, CPAD), jnp.float32),
        mesh=mesh,
        compiler_params=pltpu.CompilerParams(use_tc_tiling_on_sc=False,
                                             needs_layout_passes=False),
        scratch_types=[
            pltpu.VMEM((N,), jnp.float32),
            pltpu.VMEM((N,), jnp.float32),
            pltpu.VMEM((N,), jnp.float32),
            pltpu.VMEM((QPW,), jnp.float32),
            pltpu.VMEM((QPW,), jnp.float32),
            pltpu.VMEM((QPW,), jnp.float32),
            pltpu.VMEM((N,), jnp.float32),
            pltpu.VMEM((N,), jnp.float32),
            pltpu.VMEM((N,), jnp.float32),
            pltpu.VMEM((N,), jnp.float32),
            pltpu.VMEM((QPW * K,), jnp.int32),
            pltpu.VMEM((NGC, GCH), jnp.int32),
            pltpu.VMEM((GCH, CPAD), jnp.float32),
            pltpu.VMEM((GCH, CPAD), jnp.float32),
            pltpu.VMEM_SHARED((2 * N, CPAD), jnp.float32),
            pltpu.SemaphoreType.DMA,
            pltpu.SemaphoreType.DMA,
            pltpu.SemaphoreType.DMA,
        ],
    )(q_soa, src_soa, srcx32)


def _gelu(x):
    return 0.5 * x * (1.0 + lax.erf(x * jnp.float32(0.7071067811865475)))


def _t1_body(x_ref, w1p_ref, stats_ref):
    k = pl.program_id(0)
    y = lax.dot_general(x_ref[...].reshape(Q, CPAD), w1p_ref[...],
                        (((1,), (1,)), ((), ())),
                        preferred_element_type=jnp.float32)
    blk = jnp.stack([jnp.sum(y, 0), jnp.sum(y * y, 0)])

    @pl.when(k == 0)
    def _():
        stats_ref[...] = blk

    @pl.when(k > 0)
    def _():
        stats_ref[...] += blk


def _t2_body(x_ref, w1p_ref, a1_ref, c1_ref, w2_ref, zmax_ref, stats_ref):
    k = pl.program_id(0)
    y = lax.dot_general(x_ref[...].reshape(Q, CPAD), w1p_ref[...],
                        (((1,), (1,)), ((), ())),
                        preferred_element_type=jnp.float32)
    y = _gelu(y * a1_ref[...] + c1_ref[...])
    z = lax.dot_general(y, w2_ref[...], (((1,), (1,)), ((), ())),
                        preferred_element_type=jnp.float32)

    @pl.when(k == 0)
    def _():
        zmax_ref[...] = z

    @pl.when(k > 0)
    def _():
        zmax_ref[...] = jnp.maximum(zmax_ref[...], z)

    @pl.when(k == K - 1)
    def _():
        zm = zmax_ref[...]
        stats_ref[...] = jnp.stack([jnp.sum(zm, 0), jnp.sum(zm * zm, 0)])


def _t3_body(zmax_ref, a2_ref, c2_ref, out_ref):
    out_ref[...] = _gelu(zmax_ref[...] * a2_ref[...] + c2_ref[...]).reshape(
        B, M, COUT2)


def kernel(src_x, src_xyz, xyz, W1, g1, b1, W2, gl, bl):
    q_soa = xyz.reshape(Q, 3).T.reshape(3 * Q)
    src_soa = src_xyz.transpose(0, 2, 1).reshape(B * 3 * N)
    srcx32 = jnp.concatenate(
        [src_x.reshape(B * N, CIN),
         jnp.zeros((B * N, CPAD - CIN), jnp.float32)], axis=1)
    w1p = jnp.concatenate(
        [W1[:, 3:], W1[:, :3],
         jnp.zeros((COUT1, CPAD - CIN - 3), jnp.float32)], axis=1)

    x_g = _sc_group(q_soa, src_soa, srcx32)

    x_spec = pl.BlockSpec((1, Q, CPAD), lambda k: (k, 0, 0))
    full = lambda *shape: pl.BlockSpec(shape, lambda *_: (0,) * len(shape))

    stats1 = pl.pallas_call(
        _t1_body,
        grid=(K,),
        in_specs=[x_spec, full(COUT1, CPAD)],
        out_specs=full(2, COUT1),
        out_shape=jax.ShapeDtypeStruct((2, COUT1), jnp.float32),
    )(x_g, w1p)

    cnt1 = jnp.float32(Q * K)
    mu1 = stats1[0] / cnt1
    var1 = stats1[1] / cnt1 - mu1 * mu1
    a1 = (g1 / jnp.sqrt(var1 + EPS)).reshape(1, COUT1)
    c1 = (b1 - mu1 * a1[0]).reshape(1, COUT1)

    zmax, stats2 = pl.pallas_call(
        _t2_body,
        grid=(K,),
        in_specs=[x_spec, full(COUT1, CPAD),
                  full(1, COUT1), full(1, COUT1), full(COUT2, COUT1)],
        out_specs=[full(Q, COUT2), full(2, COUT2)],
        out_shape=[jax.ShapeDtypeStruct((Q, COUT2), jnp.float32),
                   jax.ShapeDtypeStruct((2, COUT2), jnp.float32)],
    )(x_g, w1p, a1, c1, W2)

    cnt2 = jnp.float32(Q)
    mu2 = stats2[0] / cnt2
    var2 = stats2[1] / cnt2 - mu2 * mu2
    a2 = (gl / jnp.sqrt(var2 + EPS)).reshape(1, COUT2)
    c2 = (bl - mu2 * a2[0]).reshape(1, COUT2)

    out = pl.pallas_call(
        _t3_body,
        grid=(1,),
        in_specs=[full(Q, COUT2), full(1, COUT2), full(1, COUT2)],
        out_specs=full(B, M, COUT2),
        out_shape=jax.ShapeDtypeStruct((B, M, COUT2), jnp.float32),
    )(zmax, a2, c2)
    return out

# --- scband reference (transcript-rebuilt; emitter-appended) ---
"""Pipeline reference for scband-set-abstaction-block-64458869178520 (READ-ONLY COPY).

The authoritative reference and input builder live on the scoring server;
editing this copy changes nothing except your own understanding.
"""

import jax, jax.numpy as jnp
import numpy as np

B, N, M, K = 4, 8192, 2048, 32
RADIUS = 0.2
IN_DIM = 16
EPS = 1e-5


def ball_query(src_xyz, xyz, radius, k):
    # src_xyz: [B, N, 3], xyz: [B, M, 3] -> indices [B, M, k]
    n = src_xyz.shape[1]
    sq_q = jnp.sum(xyz * xyz, axis=-1)[:, :, None]
    sq_s = jnp.sum(src_xyz * src_xyz, axis=-1)[:, None, :]
    d2 = sq_q + sq_s - 2.0 * jnp.einsum('bmd,bnd->bmn', xyz, src_xyz)
    idx = jnp.where(d2 < radius * radius,
                    jnp.arange(n, dtype=jnp.int32)[None, None, :],
                    jnp.int32(n))
    # smallest k in-radius indices (standard pointnet2 ball_query semantics)
    neg_vals, _ = jax.lax.top_k(-idx, k)
    gi = -neg_vals  # ascending smallest indices
    first = gi[:, :, :1]
    first = jnp.where(first == n, 0, first)
    gi = jnp.where(gi == n, first, gi)
    return gi


def batch_gather(src, idx):
    # src: [B, N, C], idx: [B, M, K] -> [B, M, K, C]
    return jax.vmap(lambda s, i: s[i])(src, idx)


def setup_inputs(seed: int = 0):
    key = jax.random.key(seed)
    ks = jax.random.split(key, 8)
    src_x = jax.random.normal(ks[0], (B, N, IN_DIM), dtype=jnp.float32)
    src_xyz = jax.random.uniform(ks[1], (B, N, 3), dtype=jnp.float32)
    xyz = jax.random.uniform(ks[2], (B, M, 3), dtype=jnp.float32)
    c_in = IN_DIM + 3  # use_xyz=False -> +3 for centered xyz
    W1 = jax.random.normal(ks[3], (32, c_in), dtype=jnp.float32) * (1.0 / np.sqrt(c_in))
    g1 = jnp.ones((32,), jnp.float32)
    b1 = jnp.zeros((32,), jnp.float32)
    W2 = jax.random.normal(ks[4], (64, 32), dtype=jnp.float32) * (1.0 / np.sqrt(32))
    gl = jnp.ones((64,), jnp.float32)
    bl = jnp.zeros((64,), jnp.float32)
    return {"src_x": src_x, "src_xyz": src_xyz, "xyz": xyz,
            "W1": W1, "g1": g1, "b1": b1, "W2": W2, "gl": gl, "bl": bl}


def reference(src_x, src_xyz, xyz, W1, g1, b1, W2, gl, bl):
    gi = ball_query(src_xyz, xyz, RADIUS, K)            # [B, M, K]
    grouped_xyz = batch_gather(src_xyz, gi)             # [B, M, K, 3]
    centered = grouped_xyz - xyz[:, :, None, :]
    grouped_x = batch_gather(src_x, gi)                 # [B, M, K, IN_DIM]
    out = jnp.concatenate([centered, grouped_x], axis=-1)  # use_xyz=False
    x = jnp.transpose(out, (0, 3, 1, 2))                # [B, C, M, K]
    # conv block 1: 1x1 conv (no bias) + BatchNorm2d (batch stats, train mode) + exact GELU
    y = jnp.einsum('bcmk,oc->bomk', x, W1)
    mu = jnp.mean(y, axis=(0, 2, 3), keepdims=True)
    var = jnp.var(y, axis=(0, 2, 3), keepdims=True)
    y = (y - mu) / jnp.sqrt(var + EPS) * g1[None, :, None, None] + b1[None, :, None, None]
    y = jax.nn.gelu(y, approximate=False)
    # final 1x1 conv (no bias)
    y = jnp.einsum('bcmk,oc->bomk', y, W2)              # [B, 64, M, K]
    # max over neighbors
    y = jnp.max(y, axis=-1)                             # [B, 64, M]
    # last BatchNorm1d (batch stats) + GELU
    mu1 = jnp.mean(y, axis=(0, 2), keepdims=True)
    var1 = jnp.var(y, axis=(0, 2), keepdims=True)
    y = (y - mu1) / jnp.sqrt(var1 + EPS) * gl[None, :, None] + bl[None, :, None]
    y = jax.nn.gelu(y, approximate=False)
    return jnp.transpose(y, (0, 2, 1))                  # [B, M, 64]

if __name__ == "__main__":
    import jax
    _d = setup_inputs()
    print(jax.jit(kernel)(*tuple(_d.values())))

</pallas_src>

<mosaic_0001>
#map = affine_map<(d0, d1) -> (0)>
#map1 = affine_map<(d0, d1) -> (0, 0)>
#map2 = affine_map<(d0, d1) -> (0, 0, 0)>
module attributes {stable_mosaic.version = 14 : i64} {
  func.func @_sc_body(%arg0: i32, %arg1: i32, %arg2: memref<24576xf32, #tpu.memory_space<hbm>>, %arg3: memref<98304xf32, #tpu.memory_space<hbm>>, %arg4: memref<32768x32xf32, #tpu.memory_space<hbm>>, %arg5: memref<32x8192x32xf32, #tpu.memory_space<hbm>>, %arg6: memref<8192xf32, #tpu.memory_space<vmem>>, %arg7: memref<8192xf32, #tpu.memory_space<vmem>>, %arg8: memref<8192xf32, #tpu.memory_space<vmem>>, %arg9: memref<256xf32, #tpu.memory_space<vmem>>, %arg10: memref<256xf32, #tpu.memory_space<vmem>>, %arg11: memref<256xf32, #tpu.memory_space<vmem>>, %arg12: memref<8192xf32, #tpu.memory_space<vmem>>, %arg13: memref<8192xf32, #tpu.memory_space<vmem>>, %arg14: memref<8192xf32, #tpu.memory_space<vmem>>, %arg15: memref<8192xf32, #tpu.memory_space<vmem>>, %arg16: memref<8192xi32, #tpu.memory_space<vmem>>, %arg17: memref<64x128xi32, #tpu.memory_space<vmem>>, %arg18: memref<128x32xf32, #tpu.memory_space<vmem>>, %arg19: memref<128x32xf32, #tpu.memory_space<vmem>>, %arg20: memref<16384x32xf32, #tpu.memory_space<vmem_shared>>, %arg21: memref<!tpu.dma_semaphore, #tpu.memory_space<semaphore_mem>>, %arg22: memref<!tpu.dma_semaphore, #tpu.memory_space<semaphore_mem>>, %arg23: memref<!tpu.dma_semaphore, #tpu.memory_space<semaphore_mem>>) attributes {dimension_semantics = [#tpu.dimension_semantics<core_parallel>, #tpu.dimension_semantics<subcore_parallel>], iteration_bounds = array<i64: 2, 16>, scalar_prefetch = 0 : i64, scratch_operands = 18 : i64, tpu.core_type = #tpu.core_type<sc_vector_subcore>, window_params = [{transform_indices = #map}, {transform_indices = #map}, {transform_indices = #map1}, {transform_indices = #map2}]} {
    %mul3A = arith.constant 16 : i32
    %mul3A_0 = arith.muli %arg0, %mul3A : i32
    %add3A = arith.addi %mul3A_0, %arg1 : i32
    %mul3A_1 = arith.constant 256 : i32
    %mul3A_2 = arith.muli %add3A, %mul3A_1 : i32
    %jit3A = arith.constant 2048 : i32
    %div3A = arith.divsi %mul3A_2, %jit3A : i32
    %sign3A = arith.constant 0 : i32
    %sign3A_3 = arith.cmpi sgt, %mul3A_2, %sign3A : i32
    %sign3A_4 = arith.extui %sign3A_3 : i1 to i32
    %sign3A_5 = arith.constant 0 : i32
    %sign3A_6 = arith.cmpi slt, %mul3A_2, %sign3A_5 : i32
    %sign3A_7 = arith.extui %sign3A_6 : i1 to i32
    %sign3A_8 = arith.subi %sign3A_4, %sign3A_7 : i32
    %sign3A_9 = arith.constant 0 : i32
    %sign3A_10 = arith.cmpi sgt, %jit3A, %sign3A_9 : i32
    %sign3A_11 = arith.extui %sign3A_10 : i1 to i32
    %sign3A_12 = arith.constant 0 : i32
    %sign3A_13 = arith.cmpi slt, %jit3A, %sign3A_12 : i32
    %sign3A_14 = arith.extui %sign3A_13 : i1 to i32
    %sign3A_15 = arith.subi %sign3A_11, %sign3A_14 : i32
    %ne3A = arith.cmpi ne, %sign3A_8, %sign3A_15 : i32
    %rem3A = arith.remsi %mul3A_2, %jit3A : i32
    %ne3A_16 = arith.constant 0 : i32
    %ne3A_17 = arith.cmpi ne, %rem3A, %ne3A_16 : i32
    %and3A = arith.andi %ne3A, %ne3A_17 : i1
    %sub3A = arith.constant 1 : i32
    %sub3A_18 = arith.subi %div3A, %sub3A : i32
    %select_n3A = arith.select %and3A, %sub3A_18, %div3A : i32
    %mul3A_19 = arith.constant 2 : i32
    %mul3A_20 = arith.muli %mul3A_19, %arg0 : i32
    %sub3A_21 = arith.subi %select_n3A, %mul3A_20 : i32
    %mul3A_22 = arith.constant 1024 : i32
    %mul3A_23 = arith.muli %arg1, %mul3A_22 : i32
    %mul3A_24 = arith.constant 2 : i32
    %mul3A_25 = arith.muli %arg0, %mul3A_24 : i32
    %mul3A_26 = arith.constant 8192 : i32
    %mul3A_27 = arith.muli %mul3A_25, %mul3A_26 : i32
    %mul3A_28 = arith.constant 1024 : i32
    %mul3A_29 = arith.muli %arg1, %mul3A_28 : i32
    %add3A_30 = arith.addi %mul3A_27, %mul3A_29 : i32
    %dma_start3A = arith.constant 0 : i32
    %dma_start3A_31 = tpu.memref_slice %arg20[%mul3A_23, %dma_start3A] : memref<16384x32xf32, #tpu.memory_space<vmem_shared>> -> memref<1024x32xf32, #tpu.memory_space<vmem_shared>>
    %dma_start3A_32 = arith.constant 0 : i32
    %dma_start3A_33 = tpu.memref_slice %arg4[%add3A_30, %dma_start3A_32] : memref<32768x32xf32, #tpu.memory_space<hbm>> -> memref<1024x32xf32, #tpu.memory_space<hbm>>
    tpu.enqueue_dma source(%dma_start3A_33 : memref<1024x32xf32, #tpu.memory_space<hbm>>) target(%dma_start3A_31 : memref<1024x32xf32, #tpu.memory_space<vmem_shared>>) target_semaphore(%arg23 : memref<!tpu.dma_semaphore, #tpu.memory_space<semaphore_mem>>)
    %mul3A_34 = arith.constant 3 : i32
    %mul3A_35 = arith.muli %select_n3A, %mul3A_34 : i32
    %add3A_36 = arith.constant 0 : i32
    %add3A_37 = arith.addi %mul3A_35, %add3A_36 : i32
    %mul3A_38 = arith.constant 8192 : i32
    %mul3A_39 = arith.muli %add3A_37, %mul3A_38 : i32
    "tpu.region"() ({
      %run_scoped3A = tpu.sem_alloc : memref<!tpu.dma_semaphore, #tpu.memory_space<semaphore_mem>>
      %dma_start3A_87 = tpu.memref_slice %arg3[%mul3A_39] : memref<98304xf32, #tpu.memory_space<hbm>> -> memref<8192xf32, #tpu.memory_space<hbm>>
      %dma_start3A_88 = tpu.memref_slice %arg3[%mul3A_39] : memref<98304xf32, #tpu.memory_space<hbm>> -> memref<8192xf32, #tpu.memory_space<hbm>>
      tpu.enqueue_dma source(%dma_start3A_88 : memref<8192xf32, #tpu.memory_space<hbm>>) target(%arg6 : memref<8192xf32, #tpu.memory_space<vmem>>) target_semaphore(%run_scoped3A : memref<!tpu.dma_semaphore, #tpu.memory_space<semaphore_mem>>)
      %dma_wait3A_89 = tpu.memref_slice %arg3[%mul3A_39] : memref<98304xf32, #tpu.memory_space<hbm>> -> memref<8192xf32, #tpu.memory_space<hbm>>
      %dma_wait3A_90 = tpu.memref_slice %arg3[%mul3A_39] : memref<98304xf32, #tpu.memory_space<hbm>> -> memref<8192xf32, #tpu.memory_space<hbm>>
      tpu.wait_dma2 semaphore(%run_scoped3A : memref<!tpu.dma_semaphore, #tpu.memory_space<semaphore_mem>>) src(%dma_wait3A_90 : memref<8192xf32, #tpu.memory_space<hbm>>) dst(%arg6 : memref<8192xf32, #tpu.memory_space<vmem>>)
      tpu.yield
    }) : () -> ()
    %mul3A_40 = arith.constant 3 : i32
    %mul3A_41 = arith.muli %select_n3A, %mul3A_40 : i32
    %add3A_42 = arith.constant 1 : i32
    %add3A_43 = arith.addi %mul3A_41, %add3A_42 : i32
    %mul3A_44 = arith.constant 8192 : i32
    %mul3A_45 = arith.muli %add3A_43, %mul3A_44 : i32
    "tpu.region"() ({
      %run_scoped3A = tpu.sem_alloc : memref<!tpu.dma_semaphore, #tpu.memory_space<semaphore_mem>>
      %dma_start3A_87 = tpu.memref_slice %arg3[%mul3A_45] : memref<98304xf32, #tpu.memory_space<hbm>> -> memref<8192xf32, #tpu.memory_space<hbm>>
      %dma_start3A_88 = tpu.memref_slice %arg3[%mul3A_45] : memref<98304xf32, #tpu.memory_space<hbm>> -> memref<8192xf32, #tpu.memory_space<hbm>>
      tpu.enqueue_dma source(%dma_start3A_88 : memref<8192xf32, #tpu.memory_space<hbm>>) target(%arg7 : memref<8192xf32, #tpu.memory_space<vmem>>) target_semaphore(%run_scoped3A : memref<!tpu.dma_semaphore, #tpu.memory_space<semaphore_mem>>)
      %dma_wait3A_89 = tpu.memref_slice %arg3[%mul3A_45] : memref<98304xf32, #tpu.memory_space<hbm>> -> memref<8192xf32, #tpu.memory_space<hbm>>
      %dma_wait3A_90 = tpu.memref_slice %arg3[%mul3A_45] : memref<98304xf32, #tpu.memory_space<hbm>> -> memref<8192xf32, #tpu.memory_space<hbm>>
      tpu.wait_dma2 semaphore(%run_scoped3A : memref<!tpu.dma_semaphore, #tpu.memory_space<semaphore_mem>>) src(%dma_wait3A_90 : memref<8192xf32, #tpu.memory_space<hbm>>) dst(%arg7 : memref<8192xf32, #tpu.memory_space<vmem>>)
      tpu.yield
    }) : () -> ()
    %mul3A_46 = arith.constant 3 : i32
    %mul3A_47 = arith.muli %select_n3A, %mul3A_46 : i32
    %add3A_48 = arith.constant 2 : i32
    %add3A_49 = arith.addi %mul3A_47, %add3A_48 : i32
    %mul3A_50 = arith.constant 8192 : i32
    %mul3A_51 = arith.muli %add3A_49, %mul3A_50 : i32
    "tpu.region"() ({
      %run_scoped3A = tpu.sem_alloc : memref<!tpu.dma_semaphore, #tpu.memory_space<semaphore_mem>>
      %dma_start3A_87 = tpu.memref_slice %arg3[%mul3A_51] : memref<98304xf32, #tpu.memory_space<hbm>> -> memref<8192xf32, #tpu.memory_space<hbm>>
      %dma_start3A_88 = tpu.memref_slice %arg3[%mul3A_51] : memref<98304xf32, #tpu.memory_space<hbm>> -> memref<8192xf32, #tpu.memory_space<hbm>>
      tpu.enqueue_dma source(%dma_start3A_88 : memref<8192xf32, #tpu.memory_space<hbm>>) target(%arg8 : memref<8192xf32, #tpu.memory_space<vmem>>) target_semaphore(%run_scoped3A : memref<!tpu.dma_semaphore, #tpu.memory_space<semaphore_mem>>)
      %dma_wait3A_89 = tpu.memref_slice %arg3[%mul3A_51] : memref<98304xf32, #tpu.memory_space<hbm>> -> memref<8192xf32, #tpu.memory_space<hbm>>
      %dma_wait3A_90 = tpu.memref_slice %arg3[%mul3A_51] : memref<98304xf32, #tpu.memory_space<hbm>> -> memref<8192xf32, #tpu.memory_space<hbm>>
      tpu.wait_dma2 semaphore(%run_scoped3A : memref<!tpu.dma_semaphore, #tpu.memory_space<semaphore_mem>>) src(%dma_wait3A_90 : memref<8192xf32, #tpu.memory_space<hbm>>) dst(%arg8 : memref<8192xf32, #tpu.memory_space<vmem>>)
      tpu.yield
    }) : () -> ()
    %add3A_52 = arith.constant 0 : i32
    %add3A_53 = arith.addi %add3A_52, %mul3A_2 : i32
    "tpu.region"() ({
      %run_scoped3A = tpu.sem_alloc : memref<!tpu.dma_semaphore, #tpu.memory_space<semaphore_mem>>
      %dma_start3A_87 = tpu.memref_slice %arg2[%add3A_53] : memref<24576xf32, #tpu.memory_space<hbm>> -> memref<256xf32, #tpu.memory_space<hbm>>
      %dma_start3A_88 = tpu.memref_slice %arg2[%add3A_53] : memref<24576xf32, #tpu.memory_space<hbm>> -> memref<256xf32, #tpu.memory_space<hbm>>
      tpu.enqueue_dma source(%dma_start3A_88 : memref<256xf32, #tpu.memory_space<hbm>>) target(%arg9 : memref<256xf32, #tpu.memory_space<vmem>>) target_semaphore(%run_scoped3A : memref<!tpu.dma_semaphore, #tpu.memory_space<semaphore_mem>>)
      %dma_wait3A_89 = tpu.memref_slice %arg2[%add3A_53] : memref<24576xf32, #tpu.memory_space<hbm>> -> memref<256xf32, #tpu.memory_space<hbm>>
      %dma_wait3A_90 = tpu.memref_slice %arg2[%add3A_53] : memref<24576xf32, #tpu.memory_space<hbm>> -> memref<256xf32, #tpu.memory_space<hbm>>
      tpu.wait_dma2 semaphore(%run_scoped3A : memref<!tpu.dma_semaphore, #tpu.memory_space<semaphore_mem>>) src(%dma_wait3A_90 : memref<256xf32, #tpu.memory_space<hbm>>) dst(%arg9 : memref<256xf32, #tpu.memory_space<vmem>>)
      tpu.yield
    }) : () -> ()
    %add3A_54 = arith.constant 8192 : i32
    %add3A_55 = arith.addi %add3A_54, %mul3A_2 : i32
    "tpu.region"() ({
      %run_scoped3A = tpu.sem_alloc : memref<!tpu.dma_semaphore, #tpu.memory_space<semaphore_mem>>
      %dma_start3A_87 = tpu.memref_slice %arg2[%add3A_55] : memref<24576xf32, #tpu.memory_space<hbm>> -> memref<256xf32, #tpu.memory_space<hbm>>
      %dma_start3A_88 = tpu.memref_slice %arg2[%add3A_55] : memref<24576xf32, #tpu.memory_space<hbm>> -> memref<256xf32, #tpu.memory_space<hbm>>
      tpu.enqueue_dma source(%dma_start3A_88 : memref<256xf32, #tpu.memory_space<hbm>>) target(%arg10 : memref<256xf32, #tpu.memory_space<vmem>>) target_semaphore(%run_scoped3A : memref<!tpu.dma_semaphore, #tpu.memory_space<semaphore_mem>>)
      %dma_wait3A_89 = tpu.memref_slice %arg2[%add3A_55] : memref<24576xf32, #tpu.memory_space<hbm>> -> memref<256xf32, #tpu.memory_space<hbm>>
      %dma_wait3A_90 = tpu.memref_slice %arg2[%add3A_55] : memref<24576xf32, #tpu.memory_space<hbm>> -> memref<256xf32, #tpu.memory_space<hbm>>
      tpu.wait_dma2 semaphore(%run_scoped3A : memref<!tpu.dma_semaphore, #tpu.memory_space<semaphore_mem>>) src(%dma_wait3A_90 : memref<256xf32, #tpu.memory_space<hbm>>) dst(%arg10 : memref<256xf32, #tpu.memory_space<vmem>>)
      tpu.yield
    }) : () -> ()
    %add3A_56 = arith.constant 16384 : i32
    %add3A_57 = arith.addi %add3A_56, %mul3A_2 : i32
    "tpu.region"() ({
      %run_scoped3A = tpu.sem_alloc : memref<!tpu.dma_semaphore, #tpu.memory_space<semaphore_mem>>
      %dma_start3A_87 = tpu.memref_slice %arg2[%add3A_57] : memref<24576xf32, #tpu.memory_space<hbm>> -> memref<256xf32, #tpu.memory_space<hbm>>
      %dma_start3A_88 = tpu.memref_slice %arg2[%add3A_57] : memref<24576xf32, #tpu.memory_space<hbm>> -> memref<256xf32, #tpu.memory_space<hbm>>
      tpu.enqueue_dma source(%dma_start3A_88 : memref<256xf32, #tpu.memory_space<hbm>>) target(%arg11 : memref<256xf32, #tpu.memory_space<vmem>>) target_semaphore(%run_scoped3A : memref<!tpu.dma_semaphore, #tpu.memory_space<semaphore_mem>>)
      %dma_wait3A_89 = tpu.memref_slice %arg2[%add3A_57] : memref<24576xf32, #tpu.memory_space<hbm>> -> memref<256xf32, #tpu.memory_space<hbm>>
      %dma_wait3A_90 = tpu.memref_slice %arg2[%add3A_57] : memref<24576xf32, #tpu.memory_space<hbm>> -> memref<256xf32, #tpu.memory_space<hbm>>
      tpu.wait_dma2 semaphore(%run_scoped3A : memref<!tpu.dma_semaphore, #tpu.memory_space<semaphore_mem>>) src(%dma_wait3A_90 : memref<256xf32, #tpu.memory_space<hbm>>) dst(%arg11 : memref<256xf32, #tpu.memory_space<vmem>>)
      tpu.yield
    }) : () -> ()
    %iota3A = tpu.iota {dimensions = array<i32: 0>} : vector<16xi32>
    %mul3A_58 = arith.constant 8192 : i32
    %mul3A_59 = arith.muli %sub3A_21, %mul3A_58 : i32
    %scan3A = arith.constant 0 : i32
    %scan3A_60 = arith.constant 0 : i32
    %scan3A_61 = arith.constant 512 : i32
    %scan3A_62 = arith.addi %scan3A_60, %scan3A_61 : i32
    %scan3A_63 = arith.constant 1 : i32
    scf.for %scan3A_87 = %scan3A_60 to %scan3A_62 step %scan3A_63  : i32 {
      %mul3A_88 = arith.constant 16 : i32
      %mul3A_89 = arith.muli %scan3A_87, %mul3A_88 : i32
      %get3A = arith.index_cast %mul3A_89 : i32 to index
      %get3A_90 = tpu.vector_load %arg6[%get3A] {strides = array<i32>} : memref<8192xf32, #tpu.memory_space<vmem>>, vector<16xf32>,
      %get3A_91 = arith.index_cast %mul3A_89 : i32 to index
      %get3A_92 = tpu.vector_load %arg7[%get3A_91] {strides = array<i32>} : memref<8192xf32, #tpu.memory_space<vmem>>, vector<16xf32>,
      %get3A_93 = arith.index_cast %mul3A_89 : i32 to index
      %get3A_94 = tpu.vector_load %arg8[%get3A_93] {strides = array<i32>} : memref<8192xf32, #tpu.memory_space<vmem>>, vector<16xf32>,
      %bitcast3A = vector.bitcast %get3A_90 : vector<16xf32> to vector<16xi32>
      %add3A_95 = arith.constant 32767 : i32
      %add3A_96 = vector.broadcast %add3A_95 : i32 to vector<16xi32>
      %add3A_97 = arith.addi %bitcast3A, %add3A_96 : vector<16xi32>
      %shift_right_arithmetic3A = arith.constant 16 : i32
      %shift_right_arithmetic3A_98 = vector.broadcast %shift_right_arithmetic3A : i32 to vector<16xi32>
      %shift_right_arithmetic3A_99 = arith.shrsi %bitcast3A, %shift_right_arithmetic3A_98 : vector<16xi32>
      %and3A_100 = arith.constant 1 : i32
      %and3A_101 = vector.broadcast %and3A_100 : i32 to vector<16xi32>
      %and3A_102 = arith.andi %shift_right_arithmetic3A_99, %and3A_101 : vector<16xi32>
      %add3A_103 = arith.addi %add3A_97, %and3A_102 : vector<16xi32>
      %and3A_104 = arith.constant -65536 : i32
      %and3A_105 = vector.broadcast %and3A_104 : i32 to vector<16xi32>
      %and3A_106 = arith.andi %add3A_103, %and3A_105 : vector<16xi32>
      %bitcast3A_107 = vector.bitcast %and3A_106 : vector<16xi32> to vector<16xf32>
      %swap3A = arith.index_cast %mul3A_89 : i32 to index
      %swap3A_108 = tpu.vector_load %arg12[%swap3A] {strides = array<i32>} : memref<8192xf32, #tpu.memory_space<vmem>>, vector<16xf32>,
      tpu.vector_store %arg12[%swap3A], %bitcast3A_107 {strides = array<i32>} : memref<8192xf32, #tpu.memory_space<vmem>>, vector<16xf32>,
      %bitcast3A_109 = vector.bitcast %get3A_92 : vector<16xf32> to vector<16xi32>
      %add3A_110 = arith.constant 32767 : i32
      %add3A_111 = vector.broadcast %add3A_110 : i32 to vector<16xi32>
      %add3A_112 = arith.addi %bitcast3A_109, %add3A_111 : vector<16xi32>
      %shift_right_arithmetic3A_113 = arith.constant 16 : i32
      %shift_right_arithmetic3A_114 = vector.broadcast %shift_right_arithmetic3A_113 : i32 to vector<16xi32>
      %shift_right_arithmetic3A_115 = arith.shrsi %bitcast3A_109, %shift_right_arithmetic3A_114 : vector<16xi32>
      %and3A_116 = arith.constant 1 : i32
      %and3A_117 = vector.broadcast %and3A_116 : i32 to vector<16xi32>
      %and3A_118 = arith.andi %shift_right_arithmetic3A_115, %and3A_117 : vector<16xi32>
      %add3A_119 = arith.addi %add3A_112, %and3A_118 : vector<16xi32>
      %and3A_120 = arith.constant -65536 : i32
      %and3A_121 = vector.broadcast %and3A_120 : i32 to vector<16xi32>
      %and3A_122 = arith.andi %add3A_119, %and3A_121 : vector<16xi32>
      %bitcast3A_123 = vector.bitcast %and3A_122 : vector<16xi32> to vector<16xf32>
      %swap3A_124 = arith.index_cast %mul3A_89 : i32 to index
      %swap3A_125 = tpu.vector_load %arg13[%swap3A_124] {strides = array<i32>} : memref<8192xf32, #tpu.memory_space<vmem>>, vector<16xf32>,
      tpu.vector_store %arg13[%swap3A_124], %bitcast3A_123 {strides = array<i32>} : memref<8192xf32, #tpu.memory_space<vmem>>, vector<16xf32>,
      %bitcast3A_126 = vector.bitcast %get3A_94 : vector<16xf32> to vector<16xi32>
      %add3A_127 = arith.constant 32767 : i32
      %add3A_128 = vector.broadcast %add3A_127 : i32 to vector<16xi32>
      %add3A_129 = arith.addi %bitcast3A_126, %add3A_128 : vector<16xi32>
      %shift_right_arithmetic3A_130 = arith.constant 16 : i32
      %shift_right_arithmetic3A_131 = vector.broadcast %shift_right_arithmetic3A_130 : i32 to vector<16xi32>
      %shift_right_arithmetic3A_132 = arith.shrsi %bitcast3A_126, %shift_right_arithmetic3A_131 : vector<16xi32>
      %and3A_133 = arith.constant 1 : i32
      %and3A_134 = vector.broadcast %and3A_133 : i32 to vector<16xi32>
      %and3A_135 = arith.andi %shift_right_arithmetic3A_132, %and3A_134 : vector<16xi32>
      %add3A_136 = arith.addi %add3A_129, %and3A_135 : vector<16xi32>
      %and3A_137 = arith.constant -65536 : i32
      %and3A_138 = vector.broadcast %and3A_137 : i32 to vector<16xi32>
      %and3A_139 = arith.andi %add3A_136, %and3A_138 : vector<16xi32>
      %bitcast3A_140 = vector.bitcast %and3A_139 : vector<16xi32> to vector<16xf32>
      %swap3A_141 = arith.index_cast %mul3A_89 : i32 to index
      %swap3A_142 = tpu.vector_load %arg14[%swap3A_141] {strides = array<i32>} : memref<8192xf32, #tpu.memory_space<vmem>>, vector<16xf32>,
      tpu.vector_store %arg14[%swap3A_141], %bitcast3A_140 {strides = array<i32>} : memref<8192xf32, #tpu.memory_space<vmem>>, vector<16xf32>,
      %mul3A_143 = arith.mulf %get3A_90, %get3A_90 : vector<16xf32>
      %mul3A_144 = arith.mulf %get3A_92, %get3A_92 : vector<16xf32>
      %add3A_145 = arith.addf %mul3A_143, %mul3A_144 : vector<16xf32>
      %mul3A_146 = arith.mulf %get3A_94, %get3A_94 : vector<16xf32>
      %add3A_147 = arith.addf %add3A_145, %mul3A_146 : vector<16xf32>
      %swap3A_148 = arith.index_cast %mul3A_89 : i32 to index
      %swap3A_149 = tpu.vector_load %arg15[%swap3A_148] {strides = array<i32>} : memref<8192xf32, #tpu.memory_space<vmem>>, vector<16xf32>,
      tpu.vector_store %arg15[%swap3A_148], %add3A_147 {strides = array<i32>} : memref<8192xf32, #tpu.memory_space<vmem>>, vector<16xf32>,
    }
    %scan3A_64 = arith.constant 512 : i32
    %scan3A_65 = arith.constant 0 : i32
    %scan3A_66 = arith.constant 0 : i32
    %scan3A_67 = arith.constant 256 : i32
    %scan3A_68 = arith.addi %scan3A_66, %scan3A_67 : i32
    %scan3A_69 = arith.constant 1 : i32
    scf.for %scan3A_87 = %scan3A_66 to %scan3A_68 step %scan3A_69  : i32 {
      %broadcast_in_dim3A = arith.constant 0 : i32
      %broadcast_in_dim3A_88 = vector.broadcast %broadcast_in_dim3A : i32 to vector<16xi32>
      %add3A_89 = vector.broadcast %scan3A_87 : i32 to vector<16xi32>
      %add3A_90 = arith.addi %broadcast_in_dim3A_88, %add3A_89 : vector<16xi32>
      %gather3A = tpu.vector_load_idx %arg9[%add3A_90] : memref<256xf32, #tpu.memory_space<vmem>>[vector<16xi32>], vector<16xf32>,
      %gather3A_91 = tpu.vector_load_idx %arg10[%add3A_90] : memref<256xf32, #tpu.memory_space<vmem>>[vector<16xi32>], vector<16xf32>,
      %gather3A_92 = tpu.vector_load_idx %arg11[%add3A_90] : memref<256xf32, #tpu.memory_space<vmem>>[vector<16xi32>], vector<16xf32>,
      %bitcast3A = vector.bitcast %gather3A : vector<16xf32> to vector<16xi32>
      %add3A_93 = arith.constant 32767 : i32
      %add3A_94 = vector.broadcast %add3A_93 : i32 to vector<16xi32>
      %add3A_95 = arith.addi %bitcast3A, %add3A_94 : vector<16xi32>
      %shift_right_arithmetic3A = arith.constant 16 : i32
      %shift_right_arithmetic3A_96 = vector.broadcast %shift_right_arithmetic3A : i32 to vector<16xi32>
      %shift_right_arithmetic3A_97 = arith.shrsi %bitcast3A, %shift_right_arithmetic3A_96 : vector<16xi32>
      %and3A_98 = arith.constant 1 : i32
      %and3A_99 = vector.broadcast %and3A_98 : i32 to vector<16xi32>
      %and3A_100 = arith.andi %shift_right_arithmetic3A_97, %and3A_99 : vector<16xi32>
      %add3A_101 = arith.addi %add3A_95, %and3A_100 : vector<16xi32>
      %and3A_102 = arith.constant -65536 : i32
      %and3A_103 = vector.broadcast %and3A_102 : i32 to vector<16xi32>
      %and3A_104 = arith.andi %add3A_101, %and3A_103 : vector<16xi32>
      %bitcast3A_105 = vector.bitcast %and3A_104 : vector<16xi32> to vector<16xf32>
      %bitcast3A_106 = vector.bitcast %gather3A_91 : vector<16xf32> to vector<16xi32>
      %add3A_107 = arith.constant 32767 : i32
      %add3A_108 = vector.broadcast %add3A_107 : i32 to vector<16xi32>
      %add3A_109 = arith.addi %bitcast3A_106, %add3A_108 : vector<16xi32>
      %shift_right_arithmetic3A_110 = arith.constant 16 : i32
      %shift_right_arithmetic3A_111 = vector.broadcast %shift_right_arithmetic3A_110 : i32 to vector<16xi32>
      %shift_right_arithmetic3A_112 = arith.shrsi %bitcast3A_106, %shift_right_arithmetic3A_111 : vector<16xi32>
      %and3A_113 = arith.constant 1 : i32
      %and3A_114 = vector.broadcast %and3A_113 : i32 to vector<16xi32>
      %and3A_115 = arith.andi %shift_right_arithmetic3A_112, %and3A_114 : vector<16xi32>
      %add3A_116 = arith.addi %add3A_109, %and3A_115 : vector<16xi32>
      %and3A_117 = arith.constant -65536 : i32
      %and3A_118 = vector.broadcast %and3A_117 : i32 to vector<16xi32>
      %and3A_119 = arith.andi %add3A_116, %and3A_118 : vector<16xi32>
      %bitcast3A_120 = vector.bitcast %and3A_119 : vector<16xi32> to vector<16xf32>
      %bitcast3A_121 = vector.bitcast %gather3A_92 : vector<16xf32> to vector<16xi32>
      %add3A_122 = arith.constant 32767 : i32
      %add3A_123 = vector.broadcast %add3A_122 : i32 to vector<16xi32>
      %add3A_124 = arith.addi %bitcast3A_121, %add3A_123 : vector<16xi32>
      %shift_right_arithmetic3A_125 = arith.constant 16 : i32
      %shift_right_arithmetic3A_126 = vector.broadcast %shift_right_arithmetic3A_125 : i32 to vector<16xi32>
      %shift_right_arithmetic3A_127 = arith.shrsi %bitcast3A_121, %shift_right_arithmetic3A_126 : vector<16xi32>
      %and3A_128 = arith.constant 1 : i32
      %and3A_129 = vector.broadcast %and3A_128 : i32 to vector<16xi32>
      %and3A_130 = arith.andi %shift_right_arithmetic3A_127, %and3A_129 : vector<16xi32>
      %add3A_131 = arith.addi %add3A_124, %and3A_130 : vector<16xi32>
      %and3A_132 = arith.constant -65536 : i32
      %and3A_133 = vector.broadcast %and3A_132 : i32 to vector<16xi32>
      %and3A_134 = arith.andi %add3A_131, %and3A_133 : vector<16xi32>
      %bitcast3A_135 = vector.bitcast %and3A_134 : vector<16xi32> to vector<16xf32>
      %mul3A_136 = arith.mulf %gather3A, %gather3A : vector<16xf32>
      %mul3A_137 = arith.mulf %gather3A_91, %gather3A_91 : vector<16xf32>
      %add3A_138 = arith.addf %mul3A_136, %mul3A_137 : vector<16xf32>
      %mul3A_139 = arith.mulf %gather3A_92, %gather3A_92 : vector<16xf32>
      %add3A_140 = arith.addf %add3A_138, %mul3A_139 : vector<16xf32>
      %broadcast_in_dim3A_141 = arith.constant 0 : i32
      %broadcast_in_dim3A_142 = vector.broadcast %broadcast_in_dim3A_141 : i32 to vector<16xi32>
      %mul3A_143 = arith.constant 32 : i32
      %mul3A_144 = arith.muli %scan3A_87, %mul3A_143 : i32
      %add3A_145 = vector.broadcast %mul3A_144 : i32 to vector<16xi32>
      %add3A_146 = arith.addi %broadcast_in_dim3A_142, %add3A_145 : vector<16xi32>
      %add3A_147 = arith.addi %add3A_146, %iota3A : vector<16xi32>
      %broadcast_in_dim3A_148 = arith.constant 0 : i32
      %broadcast_in_dim3A_149 = vector.broadcast %broadcast_in_dim3A_148 : i32 to vector<16xi32>
      %while3A = arith.constant 0 : i32
      %while3A_150:2 = scf.while (%while3A_207 = %while3A, %while3A_208 = %broadcast_in_dim3A_149) : (i32, vector<16xi32>) -> (i32, vector<16xi32>) {
        %lt3A_209 = arith.constant 128 : i32
        %lt3A_210 = arith.cmpi slt, %while3A_207, %lt3A_209 : i32
        %lt3A_211 = arith.constant 32 : i32
        %lt3A_212 = vector.broadcast %lt3A_211 : i32 to vector<16xi32>
        %lt3A_213 = arith.cmpi slt, %while3A_208, %lt3A_212 : vector<16xi32>
        %reduce_or3A = arith.constant 1.000000e+00 : f32
        %reduce_or3A_214 = arith.constant 0.000000e+00 : f32
        %reduce_or3A_215 = vector.broadcast %reduce_or3A : f32 to vector<16xf32>
        %reduce_or3A_216 = vector.broadcast %reduce_or3A_214 : f32 to vector<16xf32>
        %reduce_or3A_217 = arith.select %lt3A_213, %reduce_or3A_215, %reduce_or3A_216 : vector<16xi1>, vector<16xf32>
        %reduce_or3A_218 = arith.constant true
        %reduce_or3A_219 = vector.broadcast %reduce_or3A_218 : i1 to vector<16xi1>
        %reduce_or3A_220 = tpu.scan <max>, %reduce_or3A_217 masked %reduce_or3A_219 : vector<16xf32>, vector<16xi1> -> vector<16xf32>
        %reduce_or3A_221 = vector.extract %reduce_or3A_220[15] : f32 from vector<16xf32>
        %reduce_or3A_222 = arith.constant 0.000000e+00 : f32
        %reduce_or3A_223 = arith.cmpf ogt, %reduce_or3A_221, %reduce_or3A_222 : f32
        %and3A_224 = arith.andi %lt3A_210, %reduce_or3A_223 : i1
        scf.condition(%and3A_224) %while3A_207, %while3A_208 : i32, vector<16xi32>
      } do {
      ^bb0(%while3A_207: i32, %while3A_208: vector<16xi32>):
        %mul3A_209 = arith.constant 64 : i32
        %mul3A_210 = arith.muli %while3A_207, %mul3A_209 : i32
        %add3A_211 = arith.constant 0 : i32
        %add3A_212 = arith.addi %mul3A_210, %add3A_211 : i32
        %get3A_213 = arith.index_cast %add3A_212 : i32 to index
        %get3A_214 = tpu.vector_load %arg12[%get3A_213] {strides = array<i32>} : memref<8192xf32, #tpu.memory_space<vmem>>, vector<16xf32>,
        %mul3A_215 = arith.mulf %bitcast3A_105, %get3A_214 : vector<16xf32>
        %get3A_216 = arith.index_cast %add3A_212 : i32 to index
        %get3A_217 = tpu.vector_load %arg13[%get3A_216] {strides = array<i32>} : memref<8192xf32, #tpu.memory_space<vmem>>, vector<16xf32>,
        %mul3A_218 = arith.mulf %bitcast3A_120, %get3A_217 : vector<16xf32>
        %add3A_219 = arith.addf %mul3A_215, %mul3A_218 : vector<16xf32>
        %get3A_220 = arith.index_cast %add3A_212 : i32 to index
        %get3A_221 = tpu.vector_load %arg14[%get3A_220] {strides = array<i32>} : memref<8192xf32, #tpu.memory_space<vmem>>, vector<16xf32>,
        %mul3A_222 = arith.mulf %bitcast3A_135, %get3A_221 : vector<16xf32>
        %add3A_223 = arith.addf %add3A_219, %mul3A_222 : vector<16xf32>
        %get3A_224 = arith.index_cast %add3A_212 : i32 to index
        %get3A_225 = tpu.vector_load %arg15[%get3A_224] {strides = array<i32>} : memref<8192xf32, #tpu.memory_space<vmem>>, vector<16xf32>,
        %add3A_226 = arith.addf %add3A_140, %get3A_225 : vector<16xf32>
        %mul3A_227 = arith.constant 2.000000e+00 : f32
        %mul3A_228 = vector.broadcast %mul3A_227 : f32 to vector<16xf32>
        %mul3A_229 = arith.mulf %mul3A_228, %add3A_223 : vector<16xf32>
        %sub3A_230 = arith.subf %add3A_226, %mul3A_229 : vector<16xf32>
        %lt3A_231 = arith.constant 4.000000e-02 : f32
        %lt3A_232 = vector.broadcast %lt3A_231 : f32 to vector<16xf32>
        %lt3A_233 = arith.cmpf olt, %sub3A_230, %lt3A_232 : vector<16xf32>
        %convert_element_type3A = arith.extui %lt3A_233 : vector<16xi1> to vector<16xi32>
        %broadcast_in_dim3A_234 = arith.constant true
        %broadcast_in_dim3A_235 = vector.broadcast %broadcast_in_dim3A_234 : i1 to vector<16xi1>
        %masked_cumsum3A = tpu.scan <sum>, %convert_element_type3A masked %broadcast_in_dim3A_235 : vector<16xi32>, vector<16xi1> -> vector<16xi32>
        %add3A_236 = arith.addi %while3A_208, %masked_cumsum3A : vector<16xi32>
        %le3A = arith.constant 32 : i32
        %le3A_237 = vector.broadcast %le3A : i32 to vector<16xi32>
        %le3A_238 = arith.cmpi sle, %add3A_236, %le3A_237 : vector<16xi32>
        %and3A_239 = arith.andi %lt3A_233, %le3A_238 : vector<16xi1>
        %sub3A_240 = arith.subi %add3A_147, %iota3A : vector<16xi32>
        %add3A_241 = arith.addi %sub3A_240, %while3A_208 : vector<16xi32>
        %add3A_242 = arith.addi %add3A_241, %masked_cumsum3A : vector<16xi32>
        %sub3A_243 = arith.constant 1 : i32
        %sub3A_244 = vector.broadcast %sub3A_243 : i32 to vector<16xi32>
        %sub3A_245 = arith.subi %add3A_242, %sub3A_244 : vector<16xi32>
        %add3A_246 = arith.constant 0 : i32
        %add3A_247 = arith.addi %mul3A_210, %add3A_246 : i32
        %add3A_248 = vector.broadcast %add3A_247 : i32 to vector<16xi32>
        %add3A_249 = arith.addi %add3A_248, %iota3A : vector<16xi32>
        tpu.vector_store_idx %arg16[%sub3A_245], %add3A_249 masked %and3A_239 : memref<8192xi32, #tpu.memory_space<vmem>>[vector<16xi32>], vector<16xi32>, vector<16xi1>
        %all_reduce_population_count3A = tpu.all_reduce %lt3A_233 {dim = 0 : i64, kind = #tpu.reduction_kind<sum>} : vector<16xi1> -> vector<16xi32>
        %add3A_250 = arith.addi %while3A_208, %all_reduce_population_count3A : vector<16xi32>
        %add3A_251 = arith.constant 16 : i32
        %add3A_252 = arith.addi %mul3A_210, %add3A_251 : i32
        %get3A_253 = arith.index_cast %add3A_252 : i32 to index
        %get3A_254 = tpu.vector_load %arg12[%get3A_253] {strides = array<i32>} : memref<8192xf32, #tpu.memory_space<vmem>>, vector<16xf32>,
        %mul3A_255 = arith.mulf %bitcast3A_105, %get3A_254 : vector<16xf32>
        %get3A_256 = arith.index_cast %add3A_252 : i32 to index
        %get3A_257 = tpu.vector_load %arg13[%get3A_256] {strides = array<i32>} : memref<8192xf32, #tpu.memory_space<vmem>>, vector<16xf32>,
        %mul3A_258 = arith.mulf %bitcast3A_120, %get3A_257 : vector<16xf32>
        %add3A_259 = arith.addf %mul3A_255, %mul3A_258 : vector<16xf32>
        %get3A_260 = arith.index_cast %add3A_252 : i32 to index
        %get3A_261 = tpu.vector_load %arg14[%get3A_260] {strides = array<i32>} : memref<8192xf32, #tpu.memory_space<vmem>>, vector<16xf32>,
        %mul3A_262 = arith.mulf %bitcast3A_135, %get3A_261 : vector<16xf32>
        %add3A_263 = arith.addf %add3A_259, %mul3A_262 : vector<16xf32>
        %get3A_264 = arith.index_cast %add3A_252 : i32 to index
        %get3A_265 = tpu.vector_load %arg15[%get3A_264] {strides = array<i32>} : memref<8192xf32, #tpu.memory_space<vmem>>, vector<16xf32>,
        %add3A_266 = arith.addf %add3A_140, %get3A_265 : vector<16xf32>
        %mul3A_267 = arith.constant 2.000000e+00 : f32
        %mul3A_268 = vector.broadcast %mul3A_267 : f32 to vector<16xf32>
        %mul3A_269 = arith.mulf %mul3A_268, %add3A_263 : vector<16xf32>
        %sub3A_270 = arith.subf %add3A_266, %mul3A_269 : vector<16xf32>
        %lt3A_271 = arith.constant 4.000000e-02 : f32
        %lt3A_272 = vector.broadcast %lt3A_271 : f32 to vector<16xf32>
        %lt3A_273 = arith.cmpf olt, %sub3A_270, %lt3A_272 : vector<16xf32>
        %convert_element_type3A_274 = arith.extui %lt3A_273 : vector<16xi1> to vector<16xi32>
        %broadcast_in_dim3A_275 = arith.constant true
        %broadcast_in_dim3A_276 = vector.broadcast %broadcast_in_dim3A_275 : i1 to vector<16xi1>
        %masked_cumsum3A_277 = tpu.scan <sum>, %convert_element_type3A_274 masked %broadcast_in_dim3A_276 : vector<16xi32>, vector<16xi1> -> vector<16xi32>
        %add3A_278 = arith.addi %add3A_250, %masked_cumsum3A_277 : vector<16xi32>
        %le3A_279 = arith.constant 32 : i32
        %le3A_280 = vector.broadcast %le3A_279 : i32 to vector<16xi32>
        %le3A_281 = arith.cmpi sle, %add3A_278, %le3A_280 : vector<16xi32>
        %and3A_282 = arith.andi %lt3A_273, %le3A_281 : vector<16xi1>
        %sub3A_283 = arith.subi %add3A_147, %iota3A : vector<16xi32>
        %add3A_284 = arith.addi %sub3A_283, %add3A_250 : vector<16xi32>
        %add3A_285 = arith.addi %add3A_284, %masked_cumsum3A_277 : vector<16xi32>
        %sub3A_286 = arith.constant 1 : i32
        %sub3A_287 = vector.broadcast %sub3A_286 : i32 to vector<16xi32>
        %sub3A_288 = arith.subi %add3A_285, %sub3A_287 : vector<16xi32>
        %add3A_289 = arith.constant 16 : i32
        %add3A_290 = arith.addi %mul3A_210, %add3A_289 : i32
        %add3A_291 = vector.broadcast %add3A_290 : i32 to vector<16xi32>
        %add3A_292 = arith.addi %add3A_291, %iota3A : vector<16xi32>
        tpu.vector_store_idx %arg16[%sub3A_288], %add3A_292 masked %and3A_282 : memref<8192xi32, #tpu.memory_space<vmem>>[vector<16xi32>], vector<16xi32>, vector<16xi1>
        %all_reduce_population_count3A_293 = tpu.all_reduce %lt3A_273 {dim = 0 : i64, kind = #tpu.reduction_kind<sum>} : vector<16xi1> -> vector<16xi32>
        %add3A_294 = arith.addi %add3A_250, %all_reduce_population_count3A_293 : vector<16xi32>
        %add3A_295 = arith.constant 32 : i32
        %add3A_296 = arith.addi %mul3A_210, %add3A_295 : i32
        %get3A_297 = arith.index_cast %add3A_296 : i32 to index
        %get3A_298 = tpu.vector_load %arg12[%get3A_297] {strides = array<i32>} : memref<8192xf32, #tpu.memory_space<vmem>>, vector<16xf32>,
        %mul3A_299 = arith.mulf %bitcast3A_105, %get3A_298 : vector<16xf32>
        %get3A_300 = arith.index_cast %add3A_296 : i32 to index
        %get3A_301 = tpu.vector_load %arg13[%get3A_300] {strides = array<i32>} : memref<8192xf32, #tpu.memory_space<vmem>>, vector<16xf32>,
        %mul3A_302 = arith.mulf %bitcast3A_120, %get3A_301 : vector<16xf32>
        %add3A_303 = arith.addf %mul3A_299, %mul3A_302 : vector<16xf32>
        %get3A_304 = arith.index_cast %add3A_296 : i32 to index
        %get3A_305 = tpu.vector_load %arg14[%get3A_304] {strides = array<i32>} : memref<8192xf32, #tpu.memory_space<vmem>>, vector<16xf32>,
        %mul3A_306 = arith.mulf %bitcast3A_135, %get3A_305 : vector<16xf32>
        %add3A_307 = arith.addf %add3A_303, %mul3A_306 : vector<16xf32>
        %get3A_308 = arith.index_cast %add3A_296 : i32 to index
        %get3A_309 = tpu.vector_load %arg15[%get3A_308] {strides = array<i32>} : memref<8192xf32, #tpu.memory_space<vmem>>, vector<16xf32>,
        %add3A_310 = arith.addf %add3A_140, %get3A_309 : vector<16xf32>
        %mul3A_311 = arith.constant 2.000000e+00 : f32
        %mul3A_312 = vector.broadcast %mul3A_311 : f32 to vector<16xf32>
        %mul3A_313 = arith.mulf %mul3A_312, %add3A_307 : vector<16xf32>
        %sub3A_314 = arith.subf %add3A_310, %mul3A_313 : vector<16xf32>
        %lt3A_315 = arith.constant 4.000000e-02 : f32
        %lt3A_316 = vector.broadcast %lt3A_315 : f32 to vector<16xf32>
        %lt3A_317 = arith.cmpf olt, %sub3A_314, %lt3A_316 : vector<16xf32>
        %convert_element_type3A_318 = arith.extui %lt3A_317 : vector<16xi1> to vector<16xi32>
        %broadcast_in_dim3A_319 = arith.constant true
        %broadcast_in_dim3A_320 = vector.broadcast %broadcast_in_dim3A_319 : i1 to vector<16xi1>
        %masked_cumsum3A_321 = tpu.scan <sum>, %convert_element_type3A_318 masked %broadcast_in_dim3A_320 : vector<16xi32>, vector<16xi1> -> vector<16xi32>
        %add3A_322 = arith.addi %add3A_294, %masked_cumsum3A_321 : vector<16xi32>
        %le3A_323 = arith.constant 32 : i32
        %le3A_324 = vector.broadcast %le3A_323 : i32 to vector<16xi32>
        %le3A_325 = arith.cmpi sle, %add3A_322, %le3A_324 : vector<16xi32>
        %and3A_326 = arith.andi %lt3A_317, %le3A_325 : vector<16xi1>
        %sub3A_327 = arith.subi %add3A_147, %iota3A : vector<16xi32>
        %add3A_328 = arith.addi %sub3A_327, %add3A_294 : vector<16xi32>
        %add3A_329 = arith.addi %add3A_328, %masked_cumsum3A_321 : vector<16xi32>
        %sub3A_330 = arith.constant 1 : i32
        %sub3A_331 = vector.broadcast %sub3A_330 : i32 to vector<16xi32>
        %sub3A_332 = arith.subi %add3A_329, %sub3A_331 : vector<16xi32>
        %add3A_333 = arith.constant 32 : i32
        %add3A_334 = arith.addi %mul3A_210, %add3A_333 : i32
        %add3A_335 = vector.broadcast %add3A_334 : i32 to vector<16xi32>
        %add3A_336 = arith.addi %add3A_335, %iota3A : vector<16xi32>
        tpu.vector_store_idx %arg16[%sub3A_332], %add3A_336 masked %and3A_326 : memref<8192xi32, #tpu.memory_space<vmem>>[vector<16xi32>], vector<16xi32>, vector<16xi1>
        %all_reduce_population_count3A_337 = tpu.all_reduce %lt3A_317 {dim = 0 : i64, kind = #tpu.reduction_kind<sum>} : vector<16xi1> -> vector<16xi32>
        %add3A_338 = arith.addi %add3A_294, %all_reduce_population_count3A_337 : vector<16xi32>
        %add3A_339 = arith.constant 48 : i32
        %add3A_340 = arith.addi %mul3A_210, %add3A_339 : i32
        %get3A_341 = arith.index_cast %add3A_340 : i32 to index
        %get3A_342 = tpu.vector_load %arg12[%get3A_341] {strides = array<i32>} : memref<8192xf32, #tpu.memory_space<vmem>>, vector<16xf32>,
        %mul3A_343 = arith.mulf %bitcast3A_105, %get3A_342 : vector<16xf32>
        %get3A_344 = arith.index_cast %add3A_340 : i32 to index
        %get3A_345 = tpu.vector_load %arg13[%get3A_344] {strides = array<i32>} : memref<8192xf32, #tpu.memory_space<vmem>>, vector<16xf32>,
        %mul3A_346 = arith.mulf %bitcast3A_120, %get3A_345 : vector<16xf32>
        %add3A_347 = arith.addf %mul3A_343, %mul3A_346 : vector<16xf32>
        %get3A_348 = arith.index_cast %add3A_340 : i32 to index
        %get3A_349 = tpu.vector_load %arg14[%get3A_348] {strides = array<i32>} : memref<8192xf32, #tpu.memory_space<vmem>>, vector<16xf32>,
        %mul3A_350 = arith.mulf %bitcast3A_135, %get3A_349 : vector<16xf32>
        %add3A_351 = arith.addf %add3A_347, %mul3A_350 : vector<16xf32>
        %get3A_352 = arith.index_cast %add3A_340 : i32 to index
        %get3A_353 = tpu.vector_load %arg15[%get3A_352] {strides = array<i32>} : memref<8192xf32, #tpu.memory_space<vmem>>, vector<16xf32>,
        %add3A_354 = arith.addf %add3A_140, %get3A_353 : vector<16xf32>
        %mul3A_355 = arith.constant 2.000000e+00 : f32
        %mul3A_356 = vector.broadcast %mul3A_355 : f32 to vector<16xf32>
        %mul3A_357 = arith.mulf %mul3A_356, %add3A_351 : vector<16xf32>
        %sub3A_358 = arith.subf %add3A_354, %mul3A_357 : vector<16xf32>
        %lt3A_359 = arith.constant 4.000000e-02 : f32
        %lt3A_360 = vector.broadcast %lt3A_359 : f32 to vector<16xf32>
        %lt3A_361 = arith.cmpf olt, %sub3A_358, %lt3A_360 : vector<16xf32>
        %convert_element_type3A_362 = arith.extui %lt3A_361 : vector<16xi1> to vector<16xi32>
        %broadcast_in_dim3A_363 = arith.constant true
        %broadcast_in_dim3A_364 = vector.broadcast %broadcast_in_dim3A_363 : i1 to vector<16xi1>
        %masked_cumsum3A_365 = tpu.scan <sum>, %convert_element_type3A_362 masked %broadcast_in_dim3A_364 : vector<16xi32>, vector<16xi1> -> vector<16xi32>
        %add3A_366 = arith.addi %add3A_338, %masked_cumsum3A_365 : vector<16xi32>
        %le3A_367 = arith.constant 32 : i32
        %le3A_368 = vector.broadcast %le3A_367 : i32 to vector<16xi32>
        %le3A_369 = arith.cmpi sle, %add3A_366, %le3A_368 : vector<16xi32>
        %and3A_370 = arith.andi %lt3A_361, %le3A_369 : vector<16xi1>
        %sub3A_371 = arith.subi %add3A_147, %iota3A : vector<16xi32>
        %add3A_372 = arith.addi %sub3A_371, %add3A_338 : vector<16xi32>
        %add3A_373 = arith.addi %add3A_372, %masked_cumsum3A_365 : vector<16xi32>
        %sub3A_374 = arith.constant 1 : i32
        %sub3A_375 = vector.broadcast %sub3A_374 : i32 to vector<16xi32>
        %sub3A_376 = arith.subi %add3A_373, %sub3A_375 : vector<16xi32>
        %add3A_377 = arith.constant 48 : i32
        %add3A_378 = arith.addi %mul3A_210, %add3A_377 : i32
        %add3A_379 = vector.broadcast %add3A_378 : i32 to vector<16xi32>
        %add3A_380 = arith.addi %add3A_379, %iota3A : vector<16xi32>
        tpu.vector_store_idx %arg16[%sub3A_376], %add3A_380 masked %and3A_370 : memref<8192xi32, #tpu.memory_space<vmem>>[vector<16xi32>], vector<16xi32>, vector<16xi1>
        %all_reduce_population_count3A_381 = tpu.all_reduce %lt3A_361 {dim = 0 : i64, kind = #tpu.reduction_kind<sum>} : vector<16xi1> -> vector<16xi32>
        %add3A_382 = arith.addi %add3A_338, %all_reduce_population_count3A_381 : vector<16xi32>
        %add3A_383 = arith.constant 1 : i32
        %add3A_384 = arith.addi %while3A_207, %add3A_383 : i32
        %min3A = arith.constant 32 : i32
        %min3A_385 = vector.broadcast %min3A : i32 to vector<16xi32>
        %min3A_386 = arith.minsi %add3A_382, %min3A_385 : vector<16xi32>
        scf.yield %add3A_384, %min3A_386 : i32, vector<16xi32>
      }
      %sub3A_151 = arith.subi %add3A_147, %iota3A : vector<16xi32>
      %gather3A_152 = tpu.vector_load_idx %arg16[%sub3A_151] : memref<8192xi32, #tpu.memory_space<vmem>>[vector<16xi32>], vector<16xi32>,
      %gt3A = arith.constant 0 : i32
      %gt3A_153 = vector.broadcast %gt3A : i32 to vector<16xi32>
      %gt3A_154 = arith.cmpi sgt, %while3A_150#1, %gt3A_153 : vector<16xi32>
      %jit3A_155 = arith.constant 0 : i32
      %broadcast_in_dim3A_156 = vector.broadcast %jit3A_155 : i32 to vector<16xi32>
      %select_n3A_157 = arith.select %gt3A_154, %gather3A_152, %broadcast_in_dim3A_156 : vector<16xi1>, vector<16xi32>
      %mul3A_158 = arith.constant 32 : i32
      %mul3A_159 = arith.muli %scan3A_87, %mul3A_158 : i32
      %add3A_160 = arith.constant 0 : i32
      %add3A_161 = arith.addi %mul3A_159, %add3A_160 : i32
      %add3A_162 = arith.constant 0 : i32
      %add3A_163 = vector.broadcast %add3A_162 : i32 to vector<16xi32>
      %add3A_164 = arith.addi %add3A_163, %iota3A : vector<16xi32>
      %lt3A = arith.cmpi slt, %add3A_164, %while3A_150#1 : vector<16xi32>
      %get3A = arith.index_cast %add3A_161 : i32 to index
      %get3A_165 = tpu.vector_load %arg16[%get3A] {strides = array<i32>} : memref<8192xi32, #tpu.memory_space<vmem>>, vector<16xi32>,
      %select_n3A_166 = arith.select %lt3A, %get3A_165, %select_n3A_157 : vector<16xi1>, vector<16xi32>
      %swap3A = arith.index_cast %add3A_161 : i32 to index
      %swap3A_167 = tpu.vector_load %arg16[%swap3A] {strides = array<i32>} : memref<8192xi32, #tpu.memory_space<vmem>>, vector<16xi32>,
      tpu.vector_store %arg16[%swap3A], %select_n3A_166 {strides = array<i32>} : memref<8192xi32, #tpu.memory_space<vmem>>, vector<16xi32>,
      %mul3A_168 = arith.constant 256 : i32
      %mul3A_169 = vector.broadcast %mul3A_168 : i32 to vector<16xi32>
      %mul3A_170 = arith.muli %add3A_164, %mul3A_169 : vector<16xi32>
      %add3A_171 = vector.broadcast %scan3A_87 : i32 to vector<16xi32>
      %add3A_172 = arith.addi %mul3A_170, %add3A_171 : vector<16xi32>
      %shift_right_arithmetic3A_173 = arith.constant 7 : i32
      %shift_right_arithmetic3A_174 = vector.broadcast %shift_right_arithmetic3A_173 : i32 to vector<16xi32>
      %shift_right_arithmetic3A_175 = arith.shrsi %add3A_172, %shift_right_arithmetic3A_174 : vector<16xi32>
      %and3A_176 = arith.constant 127 : i32
      %and3A_177 = vector.broadcast %and3A_176 : i32 to vector<16xi32>
      %and3A_178 = arith.andi %add3A_172, %and3A_177 : vector<16xi32>
      %add3A_179 = vector.broadcast %mul3A_59 : i32 to vector<16xi32>
      %add3A_180 = arith.addi %select_n3A_166, %add3A_179 : vector<16xi32>
      tpu.vector_store_idx %arg17[%shift_right_arithmetic3A_175, %and3A_178], %add3A_180 : memref<64x128xi32, #tpu.memory_space<vmem>>[vector<16xi32>, vector<16xi32>], vector<16xi32>,
      %mul3A_181 = arith.constant 32 : i32
      %mul3A_182 = arith.muli %scan3A_87, %mul3A_181 : i32
      %add3A_183 = arith.constant 16 : i32
      %add3A_184 = arith.addi %mul3A_182, %add3A_183 : i32
      %add3A_185 = arith.constant 16 : i32
      %add3A_186 = vector.broadcast %add3A_185 : i32 to vector<16xi32>
      %add3A_187 = arith.addi %add3A_186, %iota3A : vector<16xi32>
      %lt3A_188 = arith.cmpi slt, %add3A_187, %while3A_150#1 : vector<16xi32>
      %get3A_189 = arith.index_cast %add3A_184 : i32 to index
      %get3A_190 = tpu.vector_load %arg16[%get3A_189] {strides = array<i32>} : memref<8192xi32, #tpu.memory_space<vmem>>, vector<16xi32>,
      %select_n3A_191 = arith.select %lt3A_188, %get3A_190, %select_n3A_157 : vector<16xi1>, vector<16xi32>
      %swap3A_192 = arith.index_cast %add3A_184 : i32 to index
      %swap3A_193 = tpu.vector_load %arg16[%swap3A_192] {strides = array<i32>} : memref<8192xi32, #tpu.memory_space<vmem>>, vector<16xi32>,
      tpu.vector_store %arg16[%swap3A_192], %select_n3A_191 {strides = array<i32>} : memref<8192xi32, #tpu.memory_space<vmem>>, vector<16xi32>,
      %mul3A_194 = arith.constant 256 : i32
      %mul3A_195 = vector.broadcast %mul3A_194 : i32 to vector<16xi32>
      %mul3A_196 = arith.muli %add3A_187, %mul3A_195 : vector<16xi32>
      %add3A_197 = vector.broadcast %scan3A_87 : i32 to vector<16xi32>
      %add3A_198 = arith.addi %mul3A_196, %add3A_197 : vector<16xi32>
      %shift_right_arithmetic3A_199 = arith.constant 7 : i32
      %shift_right_arithmetic3A_200 = vector.broadcast %shift_right_arithmetic3A_199 : i32 to vector<16xi32>
      %shift_right_arithmetic3A_201 = arith.shrsi %add3A_198, %shift_right_arithmetic3A_200 : vector<16xi32>
      %and3A_202 = arith.constant 127 : i32
      %and3A_203 = vector.broadcast %and3A_202 : i32 to vector<16xi32>
      %and3A_204 = arith.andi %add3A_198, %and3A_203 : vector<16xi32>
      %add3A_205 = vector.broadcast %mul3A_59 : i32 to vector<16xi32>
      %add3A_206 = arith.addi %select_n3A_191, %add3A_205 : vector<16xi32>
      tpu.vector_store_idx %arg17[%shift_right_arithmetic3A_201, %and3A_204], %add3A_206 : memref<64x128xi32, #tpu.memory_space<vmem>>[vector<16xi32>, vector<16xi32>], vector<16xi32>,
    }
    %scan3A_70 = arith.constant 256 : i32
    %dma_wait3A = arith.constant 0 : i32
    %dma_wait3A_71 = tpu.memref_slice %arg20[%mul3A_23, %dma_wait3A] : memref<16384x32xf32, #tpu.memory_space<vmem_shared>> -> memref<1024x32xf32, #tpu.memory_space<vmem_shared>>
    %dma_wait3A_72 = arith.constant 0 : i32
    %dma_wait3A_73 = tpu.memref_slice %arg4[%add3A_30, %dma_wait3A_72] : memref<32768x32xf32, #tpu.memory_space<hbm>> -> memref<1024x32xf32, #tpu.memory_space<hbm>>
    tpu.wait_dma2 semaphore(%arg23 : memref<!tpu.dma_semaphore, #tpu.memory_space<semaphore_mem>>) src(%dma_wait3A_73 : memref<1024x32xf32, #tpu.memory_space<hbm>>) dst(%dma_wait3A_71 : memref<1024x32xf32, #tpu.memory_space<vmem_shared>>)
    %barrier3A = arith.constant 0 : index
    tpu.barrier barrier_id(%barrier3A)
    %dma_start3A_74 = arith.constant 0 : i32
    %dma_start3A_75 = arith.constant 0 : i32
    %dma_start3A_76 = tpu.memref_slice %arg17[%dma_start3A_74, %dma_start3A_75] : memref<64x128xi32, #tpu.memory_space<vmem>> -> memref<1x128xi32, #tpu.memory_space<vmem>>
    %dma_start3A_77 = tpu.memref_squeeze %dma_start3A_76 : memref<1x128xi32, #tpu.memory_space<vmem>> -> memref<128xi32, #tpu.memory_space<vmem>>
    %dma_start3A_78 = arith.constant 0 : i32
    %dma_start3A_79 = arith.constant 0 : i32
    %dma_start3A_80 = tpu.memref_slice %arg20[%dma_start3A_78, %dma_start3A_79] : memref<16384x32xf32, #tpu.memory_space<vmem_shared>> -> memref<16384x32xf32, #tpu.memory_space<vmem_shared>>
    tpu.enqueue_indirect_dma source(%dma_start3A_80 : memref<16384x32xf32, #tpu.memory_space<vmem_shared>>) target(%arg18 : memref<128x32xf32, #tpu.memory_space<vmem>>) offsets(%dma_start3A_77 : memref<128xi32, #tpu.memory_space<vmem>>) semaphore(%arg21 : memref<!tpu.dma_semaphore, #tpu.memory_space<semaphore_mem>>)
    %scan3A_81 = arith.constant 0 : i32
    %scan3A_82 = arith.constant 0 : i32
    %scan3A_83 = arith.constant 32 : i32
    %scan3A_84 = arith.addi %scan3A_82, %scan3A_83 : i32
    %scan3A_85 = arith.constant 1 : i32
    scf.for %scan3A_87 = %scan3A_82 to %scan3A_84 step %scan3A_85  : i32 {
      %mul3A_88 = arith.constant 2 : i32
      %mul3A_89 = arith.muli %mul3A_88, %scan3A_87 : i32
      %add3A_90 = arith.constant 1 : i32
      %add3A_91 = arith.addi %mul3A_89, %add3A_90 : i32
      %dma_start3A_92 = arith.constant 0 : i32
      %dma_start3A_93 = tpu.memref_slice %arg17[%add3A_91, %dma_start3A_92] : memref<64x128xi32, #tpu.memory_space<vmem>> -> memref<1x128xi32, #tpu.memory_space<vmem>>
      %dma_start3A_94 = tpu.memref_squeeze %dma_start3A_93 : memref<1x128xi32, #tpu.memory_space<vmem>> -> memref<128xi32, #tpu.memory_space<vmem>>
      %dma_start3A_95 = arith.constant 0 : i32
      %dma_start3A_96 = arith.constant 0 : i32
      %dma_start3A_97 = tpu.memref_slice %arg20[%dma_start3A_95, %dma_start3A_96] : memref<16384x32xf32, #tpu.memory_space<vmem_shared>> -> memref<16384x32xf32, #tpu.memory_space<vmem_shared>>
      tpu.enqueue_indirect_dma source(%dma_start3A_97 : memref<16384x32xf32, #tpu.memory_space<vmem_shared>>) target(%arg19 : memref<128x32xf32, #tpu.memory_space<vmem>>) offsets(%dma_start3A_94 : memref<128xi32, #tpu.memory_space<vmem>>) semaphore(%arg22 : memref<!tpu.dma_semaphore, #tpu.memory_space<semaphore_mem>>)
      %dma_wait3A_98 = arith.constant 0 : i32
      %dma_wait3A_99 = tpu.memref_slice %arg17[%mul3A_89, %dma_wait3A_98] : memref<64x128xi32, #tpu.memory_space<vmem>> -> memref<1x128xi32, #tpu.memory_space<vmem>>
      %dma_wait3A_100 = tpu.memref_squeeze %dma_wait3A_99 : memref<1x128xi32, #tpu.memory_space<vmem>> -> memref<128xi32, #tpu.memory_space<vmem>>
      %dma_wait3A_101 = arith.constant 0 : i32
      %dma_wait3A_102 = arith.constant 0 : i32
      %dma_wait3A_103 = tpu.memref_slice %arg20[%dma_wait3A_101, %dma_wait3A_102] : memref<16384x32xf32, #tpu.memory_space<vmem_shared>> -> memref<16384x32xf32, #tpu.memory_space<vmem_shared>>
      tpu.wait_indirect_dma semaphore(%arg21 : memref<!tpu.dma_semaphore, #tpu.memory_space<semaphore_mem>>) src(%dma_wait3A_103 : memref<16384x32xf32, #tpu.memory_space<vmem_shared>>) dst(%arg18 : memref<128x32xf32, #tpu.memory_space<vmem>>)
      %jit3A_104 = arith.constant 2 : i32
      %div3A_105 = arith.divsi %mul3A_89, %jit3A_104 : i32
      %sign3A_106 = arith.constant 0 : i32
      %sign3A_107 = arith.cmpi sgt, %mul3A_89, %sign3A_106 : i32
      %sign3A_108 = arith.extui %sign3A_107 : i1 to i32
      %sign3A_109 = arith.constant 0 : i32
      %sign3A_110 = arith.cmpi slt, %mul3A_89, %sign3A_109 : i32
      %sign3A_111 = arith.extui %sign3A_110 : i1 to i32
      %sign3A_112 = arith.subi %sign3A_108, %sign3A_111 : i32
      %sign3A_113 = arith.constant 0 : i32
      %sign3A_114 = arith.cmpi sgt, %jit3A_104, %sign3A_113 : i32
      %sign3A_115 = arith.extui %sign3A_114 : i1 to i32
      %sign3A_116 = arith.constant 0 : i32
      %sign3A_117 = arith.cmpi slt, %jit3A_104, %sign3A_116 : i32
      %sign3A_118 = arith.extui %sign3A_117 : i1 to i32
      %sign3A_119 = arith.subi %sign3A_115, %sign3A_118 : i32
      %ne3A_120 = arith.cmpi ne, %sign3A_112, %sign3A_119 : i32
      %rem3A_121 = arith.remsi %mul3A_89, %jit3A_104 : i32
      %ne3A_122 = arith.constant 0 : i32
      %ne3A_123 = arith.cmpi ne, %rem3A_121, %ne3A_122 : i32
      %and3A_124 = arith.andi %ne3A_120, %ne3A_123 : i1
      %sub3A_125 = arith.constant 1 : i32
      %sub3A_126 = arith.subi %div3A_105, %sub3A_125 : i32
      %select_n3A_127 = arith.select %and3A_124, %sub3A_126, %div3A_105 : i32
      %jit3A_128 = arith.constant 2 : i32
      %eq3A = arith.constant 0 : i32
      %eq3A_129 = arith.cmpi eq, %jit3A_128, %eq3A : i32
      %jit3A_130 = arith.constant 1 : i32
      %select_n3A_131 = arith.select %eq3A_129, %jit3A_130, %jit3A_128 : i32
      %rem3A_132 = arith.remsi %mul3A_89, %select_n3A_131 : i32
      %ne3A_133 = arith.constant 0 : i32
      %ne3A_134 = arith.cmpi ne, %rem3A_132, %ne3A_133 : i32
      %lt3A = arith.constant 0 : i32
      %lt3A_135 = arith.cmpi slt, %rem3A_132, %lt3A : i32
      %lt3A_136 = arith.constant 0 : i32
      %lt3A_137 = arith.cmpi slt, %select_n3A_131, %lt3A_136 : i32
      %ne3A_138 = arith.xori %lt3A_135, %lt3A_137 : i1
      %and3A_139 = arith.andi %ne3A_138, %ne3A_134 : i1
      %add3A_140 = arith.addi %rem3A_132, %select_n3A_131 : i32
      %select_n3A_141 = arith.select %and3A_139, %add3A_140, %rem3A_132 : i32
      %mul3A_142 = arith.constant 128 : i32
      %mul3A_143 = arith.muli %select_n3A_141, %mul3A_142 : i32
      %add3A_144 = arith.constant 0 : i32
      %add3A_145 = vector.broadcast %add3A_144 : i32 to vector<16xi32>
      %add3A_146 = arith.addi %add3A_145, %iota3A : vector<16xi32>
      %get3A = arith.index_cast %mul3A_89 : i32 to index
      %get3A_147 = arith.constant 0 : index
      %get3A_148 = tpu.vector_load %arg17[%get3A, %get3A_147] {strides = array<i32>} : memref<64x128xi32, #tpu.memory_space<vmem>>, vector<16xi32>,
      %sub3A_149 = vector.broadcast %mul3A_59 : i32 to vector<16xi32>
      %sub3A_150 = arith.subi %get3A_148, %sub3A_149 : vector<16xi32>
      %add3A_151 = arith.constant 0 : i32
      %add3A_152 = arith.addi %mul3A_143, %add3A_151 : i32
      %gather3A = tpu.vector_load_idx %arg6[%sub3A_150] : memref<8192xf32, #tpu.memory_space<vmem>>[vector<16xi32>], vector<16xf32>,
      %get3A_153 = arith.index_cast %add3A_152 : i32 to index
      %get3A_154 = tpu.vector_load %arg9[%get3A_153] {strides = array<i32>} : memref<256xf32, #tpu.memory_space<vmem>>, vector<16xf32>,
      %sub3A_155 = arith.subf %gather3A, %get3A_154 : vector<16xf32>
      %gather3A_156 = tpu.vector_load_idx %arg7[%sub3A_150] : memref<8192xf32, #tpu.memory_space<vmem>>[vector<16xi32>], vector<16xf32>,
      %get3A_157 = arith.index_cast %add3A_152 : i32 to index
      %get3A_158 = tpu.vector_load %arg10[%get3A_157] {strides = array<i32>} : memref<256xf32, #tpu.memory_space<vmem>>, vector<16xf32>,
      %sub3A_159 = arith.subf %gather3A_156, %get3A_158 : vector<16xf32>
      %gather3A_160 = tpu.vector_load_idx %arg8[%sub3A_150] : memref<8192xf32, #tpu.memory_space<vmem>>[vector<16xi32>], vector<16xf32>,
      %get3A_161 = arith.index_cast %add3A_152 : i32 to index
      %get3A_162 = tpu.vector_load %arg11[%get3A_161] {strides = array<i32>} : memref<256xf32, #tpu.memory_space<vmem>>, vector<16xf32>,
      %sub3A_163 = arith.subf %gather3A_160, %get3A_162 : vector<16xf32>
      %broadcast_in_dim3A = arith.constant 16 : i32
      %broadcast_in_dim3A_164 = vector.broadcast %broadcast_in_dim3A : i32 to vector<16xi32>
      tpu.vector_store_idx %arg18[%add3A_146, %broadcast_in_dim3A_164], %sub3A_155 : memref<128x32xf32, #tpu.memory_space<vmem>>[vector<16xi32>, vector<16xi32>], vector<16xf32>,
      %broadcast_in_dim3A_165 = arith.constant 17 : i32
      %broadcast_in_dim3A_166 = vector.broadcast %broadcast_in_dim3A_165 : i32 to vector<16xi32>
      tpu.vector_store_idx %arg18[%add3A_146, %broadcast_in_dim3A_166], %sub3A_159 : memref<128x32xf32, #tpu.memory_space<vmem>>[vector<16xi32>, vector<16xi32>], vector<16xf32>,
      %broadcast_in_dim3A_167 = arith.constant 18 : i32
      %broadcast_in_dim3A_168 = vector.broadcast %broadcast_in_dim3A_167 : i32 to vector<16xi32>
      tpu.vector_store_idx %arg18[%add3A_146, %broadcast_in_dim3A_168], %sub3A_163 : memref<128x32xf32, #tpu.memory_space<vmem>>[vector<16xi32>, vector<16xi32>], vector<16xf32>,
      %add3A_169 = arith.constant 16 : i32
      %add3A_170 = vector.broadcast %add3A_169 : i32 to vector<16xi32>
      %add3A_171 = arith.addi %add3A_170, %iota3A : vector<16xi32>
      %get3A_172 = arith.index_cast %mul3A_89 : i32 to index
      %get3A_173 = arith.constant 16 : index
      %get3A_174 = tpu.vector_load %arg17[%get3A_172, %get3A_173] {strides = array<i32>} : memref<64x128xi32, #tpu.memory_space<vmem>>, vector<16xi32>,
      %sub3A_175 = vector.broadcast %mul3A_59 : i32 to vector<16xi32>
      %sub3A_176 = arith.subi %get3A_174, %sub3A_175 : vector<16xi32>
      %add3A_177 = arith.constant 16 : i32
      %add3A_178 = arith.addi %mul3A_143, %add3A_177 : i32
      %gather3A_179 = tpu.vector_load_idx %arg6[%sub3A_176] : memref<8192xf32, #tpu.memory_space<vmem>>[vector<16xi32>], vector<16xf32>,
      %get3A_180 = arith.index_cast %add3A_178 : i32 to index
      %get3A_181 = tpu.vector_load %arg9[%get3A_180] {strides = array<i32>} : memref<256xf32, #tpu.memory_space<vmem>>, vector<16xf32>,
      %sub3A_182 = arith.subf %gather3A_179, %get3A_181 : vector<16xf32>
      %gather3A_183 = tpu.vector_load_idx %arg7[%sub3A_176] : memref<8192xf32, #tpu.memory_space<vmem>>[vector<16xi32>], vector<16xf32>,
      %get3A_184 = arith.index_cast %add3A_178 : i32 to index
      %get3A_185 = tpu.vector_load %arg10[%get3A_184] {strides = array<i32>} : memref<256xf32, #tpu.memory_space<vmem>>, vector<16xf32>,
      %sub3A_186 = arith.subf %gather3A_183, %get3A_185 : vector<16xf32>
      %gather3A_187 = tpu.vector_load_idx %arg8[%sub3A_176] : memref<8192xf32, #tpu.memory_space<vmem>>[vector<16xi32>], vector<16xf32>,
      %get3A_188 = arith.index_cast %add3A_178 : i32 to index
      %get3A_189 = tpu.vector_load %arg11[%get3A_188] {strides = array<i32>} : memref<256xf32, #tpu.memory_space<vmem>>, vector<16xf32>,
      %sub3A_190 = arith.subf %gather3A_187, %get3A_189 : vector<16xf32>
      %broadcast_in_dim3A_191 = arith.constant 16 : i32
      %broadcast_in_dim3A_192 = vector.broadcast %broadcast_in_dim3A_191 : i32 to vector<16xi32>
      tpu.vector_store_idx %arg18[%add3A_171, %broadcast_in_dim3A_192], %sub3A_182 : memref<128x32xf32, #tpu.memory_space<vmem>>[vector<16xi32>, vector<16xi32>], vector<16xf32>,
      %broadcast_in_dim3A_193 = arith.constant 17 : i32
      %broadcast_in_dim3A_194 = vector.broadcast %broadcast_in_dim3A_193 : i32 to vector<16xi32>
      tpu.vector_store_idx %arg18[%add3A_171, %broadcast_in_dim3A_194], %sub3A_186 : memref<128x32xf32, #tpu.memory_space<vmem>>[vector<16xi32>, vector<16xi32>], vector<16xf32>,
      %broadcast_in_dim3A_195 = arith.constant 18 : i32
      %broadcast_in_dim3A_196 = vector.broadcast %broadcast_in_dim3A_195 : i32 to vector<16xi32>
      tpu.vector_store_idx %arg18[%add3A_171, %broadcast_in_dim3A_196], %sub3A_190 : memref<128x32xf32, #tpu.memory_space<vmem>>[vector<16xi32>, vector<16xi32>], vector<16xf32>,
      %add3A_197 = arith.constant 32 : i32
      %add3A_198 = vector.broadcast %add3A_197 : i32 to vector<16xi32>
      %add3A_199 = arith.addi %add3A_198, %iota3A : vector<16xi32>
      %get3A_200 = arith.index_cast %mul3A_89 : i32 to index
      %get3A_201 = arith.constant 32 : index
      %get3A_202 = tpu.vector_load %arg17[%get3A_200, %get3A_201] {strides = array<i32>} : memref<64x128xi32, #tpu.memory_space<vmem>>, vector<16xi32>,
      %sub3A_203 = vector.broadcast %mul3A_59 : i32 to vector<16xi32>
      %sub3A_204 = arith.subi %get3A_202, %sub3A_203 : vector<16xi32>
      %add3A_205 = arith.constant 32 : i32
      %add3A_206 = arith.addi %mul3A_143, %add3A_205 : i32
      %gather3A_207 = tpu.vector_load_idx %arg6[%sub3A_204] : memref<8192xf32, #tpu.memory_space<vmem>>[vector<16xi32>], vector<16xf32>,
      %get3A_208 = arith.index_cast %add3A_206 : i32 to index
      %get3A_209 = tpu.vector_load %arg9[%get3A_208] {strides = array<i32>} : memref<256xf32, #tpu.memory_space<vmem>>, vector<16xf32>,
      %sub3A_210 = arith.subf %gather3A_207, %get3A_209 : vector<16xf32>
      %gather3A_211 = tpu.vector_load_idx %arg7[%sub3A_204] : memref<8192xf32, #tpu.memory_space<vmem>>[vector<16xi32>], vector<16xf32>,
      %get3A_212 = arith.index_cast %add3A_206 : i32 to index
      %get3A_213 = tpu.vector_load %arg10[%get3A_212] {strides = array<i32>} : memref<256xf32, #tpu.memory_space<vmem>>, vector<16xf32>,
      %sub3A_214 = arith.subf %gather3A_211, %get3A_213 : vector<16xf32>
      %gather3A_215 = tpu.vector_load_idx %arg8[%sub3A_204] : memref<8192xf32, #tpu.memory_space<vmem>>[vector<16xi32>], vector<16xf32>,
      %get3A_216 = arith.index_cast %add3A_206 : i32 to index
      %get3A_217 = tpu.vector_load %arg11[%get3A_216] {strides = array<i32>} : memref<256xf32, #tpu.memory_space<vmem>>, vector<16xf32>,
      %sub3A_218 = arith.subf %gather3A_215, %get3A_217 : vector<16xf32>
      %broadcast_in_dim3A_219 = arith.constant 16 : i32
      %broadcast_in_dim3A_220 = vector.broadcast %broadcast_in_dim3A_219 : i32 to vector<16xi32>
      tpu.vector_store_idx %arg18[%add3A_199, %broadcast_in_dim3A_220], %sub3A_210 : memref<128x32xf32, #tpu.memory_space<vmem>>[vector<16xi32>, vector<16xi32>], vector<16xf32>,
      %broadcast_in_dim3A_221 = arith.constant 17 : i32
      %broadcast_in_dim3A_222 = vector.broadcast %broadcast_in_dim3A_221 : i32 to vector<16xi32>
      tpu.vector_store_idx %arg18[%add3A_199, %broadcast_in_dim3A_222], %sub3A_214 : memref<128x32xf32, #tpu.memory_space<vmem>>[vector<16xi32>, vector<16xi32>], vector<16xf32>,
      %broadcast_in_dim3A_223 = arith.constant 18 : i32
      %broadcast_in_dim3A_224 = vector.broadcast %broadcast_in_dim3A_223 : i32 to vector<16xi32>
      tpu.vector_store_idx %arg18[%add3A_199, %broadcast_in_dim3A_224], %sub3A_218 : memref<128x32xf32, #tpu.memory_space<vmem>>[vector<16xi32>, vector<16xi32>], vector<16xf32>,
      %add3A_225 = arith.constant 48 : i32
      %add3A_226 = vector.broadcast %add3A_225 : i32 to vector<16xi32>
      %add3A_227 = arith.addi %add3A_226, %iota3A : vector<16xi32>
      %get3A_228 = arith.index_cast %mul3A_89 : i32 to index
      %get3A_229 = arith.constant 48 : index
      %get3A_230 = tpu.vector_load %arg17[%get3A_228, %get3A_229] {strides = array<i32>} : memref<64x128xi32, #tpu.memory_space<vmem>>, vector<16xi32>,
      %sub3A_231 = vector.broadcast %mul3A_59 : i32 to vector<16xi32>
      %sub3A_232 = arith.subi %get3A_230, %sub3A_231 : vector<16xi32>
      %add3A_233 = arith.constant 48 : i32
      %add3A_234 = arith.addi %mul3A_143, %add3A_233 : i32
      %gather3A_235 = tpu.vector_load_idx %arg6[%sub3A_232] : memref<8192xf32, #tpu.memory_space<vmem>>[vector<16xi32>], vector<16xf32>,
      %get3A_236 = arith.index_cast %add3A_234 : i32 to index
      %get3A_237 = tpu.vector_load %arg9[%get3A_236] {strides = array<i32>} : memref<256xf32, #tpu.memory_space<vmem>>, vector<16xf32>,
      %sub3A_238 = arith.subf %gather3A_235, %get3A_237 : vector<16xf32>
      %gather3A_239 = tpu.vector_load_idx %arg7[%sub3A_232] : memref<8192xf32, #tpu.memory_space<vmem>>[vector<16xi32>], vector<16xf32>,
      %get3A_240 = arith.index_cast %add3A_234 : i32 to index
      %get3A_241 = tpu.vector_load %arg10[%get3A_240] {strides = array<i32>} : memref<256xf32, #tpu.memory_space<vmem>>, vector<16xf32>,
      %sub3A_242 = arith.subf %gather3A_239, %get3A_241 : vector<16xf32>
      %gather3A_243 = tpu.vector_load_idx %arg8[%sub3A_232] : memref<8192xf32, #tpu.memory_space<vmem>>[vector<16xi32>], vector<16xf32>,
      %get3A_244 = arith.index_cast %add3A_234 : i32 to index
      %get3A_245 = tpu.vector_load %arg11[%get3A_244] {strides = array<i32>} : memref<256xf32, #tpu.memory_space<vmem>>, vector<16xf32>,
      %sub3A_246 = arith.subf %gather3A_243, %get3A_245 : vector<16xf32>
      %broadcast_in_dim3A_247 = arith.constant 16 : i32
      %broadcast_in_dim3A_248 = vector.broadcast %broadcast_in_dim3A_247 : i32 to vector<16xi32>
      tpu.vector_store_idx %arg18[%add3A_227, %broadcast_in_dim3A_248], %sub3A_238 : memref<128x32xf32, #tpu.memory_space<vmem>>[vector<16xi32>, vector<16xi32>], vector<16xf32>,
      %broadcast_in_dim3A_249 = arith.constant 17 : i32
      %broadcast_in_dim3A_250 = vector.broadcast %broadcast_in_dim3A_249 : i32 to vector<16xi32>
      tpu.vector_store_idx %arg18[%add3A_227, %broadcast_in_dim3A_250], %sub3A_242 : memref<128x32xf32, #tpu.memory_space<vmem>>[vector<16xi32>, vector<16xi32>], vector<16xf32>,
      %broadcast_in_dim3A_251 = arith.constant 18 : i32
      %broadcast_in_dim3A_252 = vector.broadcast %broadcast_in_dim3A_251 : i32 to vector<16xi32>
      tpu.vector_store_idx %arg18[%add3A_227, %broadcast_in_dim3A_252], %sub3A_246 : memref<128x32xf32, #tpu.memory_space<vmem>>[vector<16xi32>, vector<16xi32>], vector<16xf32>,
      %add3A_253 = arith.constant 64 : i32
      %add3A_254 = vector.broadcast %add3A_253 : i32 to vector<16xi32>
      %add3A_255 = arith.addi %add3A_254, %iota3A : vector<16xi32>
      %get3A_256 = arith.index_cast %mul3A_89 : i32 to index
      %get3A_257 = arith.constant 64 : index
      %get3A_258 = tpu.vector_load %arg17[%get3A_256, %get3A_257] {strides = array<i32>} : memref<64x128xi32, #tpu.memory_space<vmem>>, vector<16xi32>,
      %sub3A_259 = vector.broadcast %mul3A_59 : i32 to vector<16xi32>
      %sub3A_260 = arith.subi %get3A_258, %sub3A_259 : vector<16xi32>
      %add3A_261 = arith.constant 64 : i32
      %add3A_262 = arith.addi %mul3A_143, %add3A_261 : i32
      %gather3A_263 = tpu.vector_load_idx %arg6[%sub3A_260] : memref<8192xf32, #tpu.memory_space<vmem>>[vector<16xi32>], vector<16xf32>,
      %get3A_264 = arith.index_cast %add3A_262 : i32 to index
      %get3A_265 = tpu.vector_load %arg9[%get3A_264] {strides = array<i32>} : memref<256xf32, #tpu.memory_space<vmem>>, vector<16xf32>,
      %sub3A_266 = arith.subf %gather3A_263, %get3A_265 : vector<16xf32>
      %gather3A_267 = tpu.vector_load_idx %arg7[%sub3A_260] : memref<8192xf32, #tpu.memory_space<vmem>>[vector<16xi32>], vector<16xf32>,
      %get3A_268 = arith.index_cast %add3A_262 : i32 to index
      %get3A_269 = tpu.vector_load %arg10[%get3A_268] {strides = array<i32>} : memref<256xf32, #tpu.memory_space<vmem>>, vector<16xf32>,
      %sub3A_270 = arith.subf %gather3A_267, %get3A_269 : vector<16xf32>
      %gather3A_271 = tpu.vector_load_idx %arg8[%sub3A_260] : memref<8192xf32, #tpu.memory_space<vmem>>[vector<16xi32>], vector<16xf32>,
      %get3A_272 = arith.index_cast %add3A_262 : i32 to index
      %get3A_273 = tpu.vector_load %arg11[%get3A_272] {strides = array<i32>} : memref<256xf32, #tpu.memory_space<vmem>>, vector<16xf32>,
      %sub3A_274 = arith.subf %gather3A_271, %get3A_273 : vector<16xf32>
      %broadcast_in_dim3A_275 = arith.constant 16 : i32
      %broadcast_in_dim3A_276 = vector.broadcast %broadcast_in_dim3A_275 : i32 to vector<16xi32>
      tpu.vector_store_idx %arg18[%add3A_255, %broadcast_in_dim3A_276], %sub3A_266 : memref<128x32xf32, #tpu.memory_space<vmem>>[vector<16xi32>, vector<16xi32>], vector<16xf32>,
      %broadcast_in_dim3A_277 = arith.constant 17 : i32
      %broadcast_in_dim3A_278 = vector.broadcast %broadcast_in_dim3A_277 : i32 to vector<16xi32>
      tpu.vector_store_idx %arg18[%add3A_255, %broadcast_in_dim3A_278], %sub3A_270 : memref<128x32xf32, #tpu.memory_space<vmem>>[vector<16xi32>, vector<16xi32>], vector<16xf32>,
      %broadcast_in_dim3A_279 = arith.constant 18 : i32
      %broadcast_in_dim3A_280 = vector.broadcast %broadcast_in_dim3A_279 : i32 to vector<16xi32>
      tpu.vector_store_idx %arg18[%add3A_255, %broadcast_in_dim3A_280], %sub3A_274 : memref<128x32xf32, #tpu.memory_space<vmem>>[vector<16xi32>, vector<16xi32>], vector<16xf32>,
      %add3A_281 = arith.constant 80 : i32
      %add3A_282 = vector.broadcast %add3A_281 : i32 to vector<16xi32>
      %add3A_283 = arith.addi %add3A_282, %iota3A : vector<16xi32>
      %get3A_284 = arith.index_cast %mul3A_89 : i32 to index
      %get3A_285 = arith.constant 80 : index
      %get3A_286 = tpu.vector_load %arg17[%get3A_284, %get3A_285] {strides = array<i32>} : memref<64x128xi32, #tpu.memory_space<vmem>>, vector<16xi32>,
      %sub3A_287 = vector.broadcast %mul3A_59 : i32 to vector<16xi32>
      %sub3A_288 = arith.subi %get3A_286, %sub3A_287 : vector<16xi32>
      %add3A_289 = arith.constant 80 : i32
      %add3A_290 = arith.addi %mul3A_143, %add3A_289 : i32
      %gather3A_291 = tpu.vector_load_idx %arg6[%sub3A_288] : memref<8192xf32, #tpu.memory_space<vmem>>[vector<16xi32>], vector<16xf32>,
      %get3A_292 = arith.index_cast %add3A_290 : i32 to index
      %get3A_293 = tpu.vector_load %arg9[%get3A_292] {strides = array<i32>} : memref<256xf32, #tpu.memory_space<vmem>>, vector<16xf32>,
      %sub3A_294 = arith.subf %gather3A_291, %get3A_293 : vector<16xf32>
      %gather3A_295 = tpu.vector_load_idx %arg7[%sub3A_288] : memref<8192xf32, #tpu.memory_space<vmem>>[vector<16xi32>], vector<16xf32>,
      %get3A_296 = arith.index_cast %add3A_290 : i32 to index
      %get3A_297 = tpu.vector_load %arg10[%get3A_296] {strides = array<i32>} : memref<256xf32, #tpu.memory_space<vmem>>, vector<16xf32>,
      %sub3A_298 = arith.subf %gather3A_295, %get3A_297 : vector<16xf32>
      %gather3A_299 = tpu.vector_load_idx %arg8[%sub3A_288] : memref<8192xf32, #tpu.memory_space<vmem>>[vector<16xi32>], vector<16xf32>,
      %get3A_300 = arith.index_cast %add3A_290 : i32 to index
      %get3A_301 = tpu.vector_load %arg11[%get3A_300] {strides = array<i32>} : memref<256xf32, #tpu.memory_space<vmem>>, vector<16xf32>,
      %sub3A_302 = arith.subf %gather3A_299, %get3A_301 : vector<16xf32>
      %broadcast_in_dim3A_303 = arith.constant 16 : i32
      %broadcast_in_dim3A_304 = vector.broadcast %broadcast_in_dim3A_303 : i32 to vector<16xi32>
      tpu.vector_store_idx %arg18[%add3A_283, %broadcast_in_dim3A_304], %sub3A_294 : memref<128x32xf32, #tpu.memory_space<vmem>>[vector<16xi32>, vector<16xi32>], vector<16xf32>,
      %broadcast_in_dim3A_305 = arith.constant 17 : i32
      %broadcast_in_dim3A_306 = vector.broadcast %broadcast_in_dim3A_305 : i32 to vector<16xi32>
      tpu.vector_store_idx %arg18[%add3A_283, %broadcast_in_dim3A_306], %sub3A_298 : memref<128x32xf32, #tpu.memory_space<vmem>>[vector<16xi32>, vector<16xi32>], vector<16xf32>,
      %broadcast_in_dim3A_307 = arith.constant 18 : i32
      %broadcast_in_dim3A_308 = vector.broadcast %broadcast_in_dim3A_307 : i32 to vector<16xi32>
      tpu.vector_store_idx %arg18[%add3A_283, %broadcast_in_dim3A_308], %sub3A_302 : memref<128x32xf32, #tpu.memory_space<vmem>>[vector<16xi32>, vector<16xi32>], vector<16xf32>,
      %add3A_309 = arith.constant 96 : i32
      %add3A_310 = vector.broadcast %add3A_309 : i32 to vector<16xi32>
      %add3A_311 = arith.addi %add3A_310, %iota3A : vector<16xi32>
      %get3A_312 = arith.index_cast %mul3A_89 : i32 to index
      %get3A_313 = arith.constant 96 : index
      %get3A_314 = tpu.vector_load %arg17[%get3A_312, %get3A_313] {strides = array<i32>} : memref<64x128xi32, #tpu.memory_space<vmem>>, vector<16xi32>,
      %sub3A_315 = vector.broadcast %mul3A_59 : i32 to vector<16xi32>
      %sub3A_316 = arith.subi %get3A_314, %sub3A_315 : vector<16xi32>
      %add3A_317 = arith.constant 96 : i32
      %add3A_318 = arith.addi %mul3A_143, %add3A_317 : i32
      %gather3A_319 = tpu.vector_load_idx %arg6[%sub3A_316] : memref<8192xf32, #tpu.memory_space<vmem>>[vector<16xi32>], vector<16xf32>,
      %get3A_320 = arith.index_cast %add3A_318 : i32 to index
      %get3A_321 = tpu.vector_load %arg9[%get3A_320] {strides = array<i32>} : memref<256xf32, #tpu.memory_space<vmem>>, vector<16xf32>,
      %sub3A_322 = arith.subf %gather3A_319, %get3A_321 : vector<16xf32>
      %gather3A_323 = tpu.vector_load_idx %arg7[%sub3A_316] : memref<8192xf32, #tpu.memory_space<vmem>>[vector<16xi32>], vector<16xf32>,
      %get3A_324 = arith.index_cast %add3A_318 : i32 to index
      %get3A_325 = tpu.vector_load %arg10[%get3A_324] {strides = array<i32>} : memref<256xf32, #tpu.memory_space<vmem>>, vector<16xf32>,
      %sub3A_326 = arith.subf %gather3A_323, %get3A_325 : vector<16xf32>
      %gather3A_327 = tpu.vector_load_idx %arg8[%sub3A_316] : memref<8192xf32, #tpu.memory_space<vmem>>[vector<16xi32>], vector<16xf32>,
      %get3A_328 = arith.index_cast %add3A_318 : i32 to index
      %get3A_329 = tpu.vector_load %arg11[%get3A_328] {strides = array<i32>} : memref<256xf32, #tpu.memory_space<vmem>>, vector<16xf32>,
      %sub3A_330 = arith.subf %gather3A_327, %get3A_329 : vector<16xf32>
      %broadcast_in_dim3A_331 = arith.constant 16 : i32
      %broadcast_in_dim3A_332 = vector.broadcast %broadcast_in_dim3A_331 : i32 to vector<16xi32>
      tpu.vector_store_idx %arg18[%add3A_311, %broadcast_in_dim3A_332], %sub3A_322 : memref<128x32xf32, #tpu.memory_space<vmem>>[vector<16xi32>, vector<16xi32>], vector<16xf32>,
      %broadcast_in_dim3A_333 = arith.constant 17 : i32
      %broadcast_in_dim3A_334 = vector.broadcast %broadcast_in_dim3A_333 : i32 to vector<16xi32>
      tpu.vector_store_idx %arg18[%add3A_311, %broadcast_in_dim3A_334], %sub3A_326 : memref<128x32xf32, #tpu.memory_space<vmem>>[vector<16xi32>, vector<16xi32>], vector<16xf32>,
      %broadcast_in_dim3A_335 = arith.constant 18 : i32
      %broadcast_in_dim3A_336 = vector.broadcast %broadcast_in_dim3A_335 : i32 to vector<16xi32>
      tpu.vector_store_idx %arg18[%add3A_311, %broadcast_in_dim3A_336], %sub3A_330 : memref<128x32xf32, #tpu.memory_space<vmem>>[vector<16xi32>, vector<16xi32>], vector<16xf32>,
      %add3A_337 = arith.constant 112 : i32
      %add3A_338 = vector.broadcast %add3A_337 : i32 to vector<16xi32>
      %add3A_339 = arith.addi %add3A_338, %iota3A : vector<16xi32>
      %get3A_340 = arith.index_cast %mul3A_89 : i32 to index
      %get3A_341 = arith.constant 112 : index
      %get3A_342 = tpu.vector_load %arg17[%get3A_340, %get3A_341] {strides = array<i32>} : memref<64x128xi32, #tpu.memory_space<vmem>>, vector<16xi32>,
      %sub3A_343 = vector.broadcast %mul3A_59 : i32 to vector<16xi32>
      %sub3A_344 = arith.subi %get3A_342, %sub3A_343 : vector<16xi32>
      %add3A_345 = arith.constant 112 : i32
      %add3A_346 = arith.addi %mul3A_143, %add3A_345 : i32
      %gather3A_347 = tpu.vector_load_idx %arg6[%sub3A_344] : memref<8192xf32, #tpu.memory_space<vmem>>[vector<16xi32>], vector<16xf32>,
      %get3A_348 = arith.index_cast %add3A_346 : i32 to index
      %get3A_349 = tpu.vector_load %arg9[%get3A_348] {strides = array<i32>} : memref<256xf32, #tpu.memory_space<vmem>>, vector<16xf32>,
      %sub3A_350 = arith.subf %gather3A_347, %get3A_349 : vector<16xf32>
      %gather3A_351 = tpu.vector_load_idx %arg7[%sub3A_344] : memref<8192xf32, #tpu.memory_space<vmem>>[vector<16xi32>], vector<16xf32>,
      %get3A_352 = arith.index_cast %add3A_346 : i32 to index
      %get3A_353 = tpu.vector_load %arg10[%get3A_352] {strides = array<i32>} : memref<256xf32, #tpu.memory_space<vmem>>, vector<16xf32>,
      %sub3A_354 = arith.subf %gather3A_351, %get3A_353 : vector<16xf32>
      %gather3A_355 = tpu.vector_load_idx %arg8[%sub3A_344] : memref<8192xf32, #tpu.memory_space<vmem>>[vector<16xi32>], vector<16xf32>,
      %get3A_356 = arith.index_cast %add3A_346 : i32 to index
      %get3A_357 = tpu.vector_load %arg11[%get3A_356] {strides = array<i32>} : memref<256xf32, #tpu.memory_space<vmem>>, vector<16xf32>,
      %sub3A_358 = arith.subf %gather3A_355, %get3A_357 : vector<16xf32>
      %broadcast_in_dim3A_359 = arith.constant 16 : i32
      %broadcast_in_dim3A_360 = vector.broadcast %broadcast_in_dim3A_359 : i32 to vector<16xi32>
      tpu.vector_store_idx %arg18[%add3A_339, %broadcast_in_dim3A_360], %sub3A_350 : memref<128x32xf32, #tpu.memory_space<vmem>>[vector<16xi32>, vector<16xi32>], vector<16xf32>,
      %broadcast_in_dim3A_361 = arith.constant 17 : i32
      %broadcast_in_dim3A_362 = vector.broadcast %broadcast_in_dim3A_361 : i32 to vector<16xi32>
      tpu.vector_store_idx %arg18[%add3A_339, %broadcast_in_dim3A_362], %sub3A_354 : memref<128x32xf32, #tpu.memory_space<vmem>>[vector<16xi32>, vector<16xi32>], vector<16xf32>,
      %broadcast_in_dim3A_363 = arith.constant 18 : i32
      %broadcast_in_dim3A_364 = vector.broadcast %broadcast_in_dim3A_363 : i32 to vector<16xi32>
      tpu.vector_store_idx %arg18[%add3A_339, %broadcast_in_dim3A_364], %sub3A_358 : memref<128x32xf32, #tpu.memory_space<vmem>>[vector<16xi32>, vector<16xi32>], vector<16xf32>,
      %add3A_365 = arith.addi %mul3A_2, %mul3A_143 : i32
      "tpu.region"() ({
        %run_scoped3A = tpu.sem_alloc : memref<!tpu.dma_semaphore, #tpu.memory_space<semaphore_mem>>
        %dma_start3A_644 = arith.constant 0 : i32
        %dma_start3A_645 = tpu.memref_slice %arg5[%select_n3A_127, %add3A_365, %dma_start3A_644] : memref<32x8192x32xf32, #tpu.memory_space<hbm>> -> memref<1x128x32xf32, #tpu.memory_space<hbm>>
        %dma_start3A_646 = tpu.memref_squeeze %dma_start3A_645 : memref<1x128x32xf32, #tpu.memory_space<hbm>> -> memref<128x32xf32, #tpu.memory_space<hbm>>
        %dma_start3A_647 = arith.constant 0 : i32
        %dma_start3A_648 = tpu.memref_slice %arg5[%select_n3A_127, %add3A_365, %dma_start3A_647] : memref<32x8192x32xf32, #tpu.memory_space<hbm>> -> memref<1x128x32xf32, #tpu.memory_space<hbm>>
        %dma_start3A_649 = tpu.memref_squeeze %dma_start3A_648 : memref<1x128x32xf32, #tpu.memory_space<hbm>> -> memref<128x32xf32, #tpu.memory_space<hbm>>
        tpu.enqueue_dma source(%arg18 : memref<128x32xf32, #tpu.memory_space<vmem>>) target(%dma_start3A_649 : memref<128x32xf32, #tpu.memory_space<hbm>>) target_semaphore(%run_scoped3A : memref<!tpu.dma_semaphore, #tpu.memory_space<semaphore_mem>>)
        %dma_wait3A_650 = arith.constant 0 : i32
        %dma_wait3A_651 = tpu.memref_slice %arg5[%select_n3A_127, %add3A_365, %dma_wait3A_650] : memref<32x8192x32xf32, #tpu.memory_space<hbm>> -> memref<1x128x32xf32, #tpu.memory_space<hbm>>
        %dma_wait3A_652 = tpu.memref_squeeze %dma_wait3A_651 : memref<1x128x32xf32, #tpu.memory_space<hbm>> -> memref<128x32xf32, #tpu.memory_space<hbm>>
        %dma_wait3A_653 = arith.constant 0 : i32
        %dma_wait3A_654 = tpu.memref_slice %arg5[%select_n3A_127, %add3A_365, %dma_wait3A_653] : memref<32x8192x32xf32, #tpu.memory_space<hbm>> -> memref<1x128x32xf32, #tpu.memory_space<hbm>>
        %dma_wait3A_655 = tpu.memref_squeeze %dma_wait3A_654 : memref<1x128x32xf32, #tpu.memory_space<hbm>> -> memref<128x32xf32, #tpu.memory_space<hbm>>
        tpu.wait_dma2 semaphore(%run_scoped3A : memref<!tpu.dma_semaphore, #tpu.memory_space<semaphore_mem>>) src(%arg18 : memref<128x32xf32, #tpu.memory_space<vmem>>) dst(%dma_wait3A_655 : memref<128x32xf32, #tpu.memory_space<hbm>>)
        tpu.yield
      }) : () -> ()
      %add3A_366 = arith.constant 1 : i32
      %add3A_367 = arith.addi %scan3A_87, %add3A_366 : i32
      %lt3A_368 = arith.constant 32 : i32
      %lt3A_369 = arith.cmpi slt, %add3A_367, %lt3A_368 : i32
      %convert_element_type3A = arith.extui %lt3A_369 : i1 to i32
      %cond3A = arith.constant 0 : i32
      %cond3A_370 = arith.cmpi ne, %convert_element_type3A, %cond3A : i32
      scf.if %cond3A_370 {
        %add3A_644 = arith.constant 2 : i32
        %add3A_645 = arith.addi %mul3A_89, %add3A_644 : i32
        %dma_start3A_646 = arith.constant 0 : i32
        %dma_start3A_647 = tpu.memref_slice %arg17[%add3A_645, %dma_start3A_646] : memref<64x128xi32, #tpu.memory_space<vmem>> -> memref<1x128xi32, #tpu.memory_space<vmem>>
        %dma_start3A_648 = tpu.memref_squeeze %dma_start3A_647 : memref<1x128xi32, #tpu.memory_space<vmem>> -> memref<128xi32, #tpu.memory_space<vmem>>
        %dma_start3A_649 = arith.constant 0 : i32
        %dma_start3A_650 = arith.constant 0 : i32
        %dma_start3A_651 = tpu.memref_slice %arg20[%dma_start3A_649, %dma_start3A_650] : memref<16384x32xf32, #tpu.memory_space<vmem_shared>> -> memref<16384x32xf32, #tpu.memory_space<vmem_shared>>
        tpu.enqueue_indirect_dma source(%dma_start3A_651 : memref<16384x32xf32, #tpu.memory_space<vmem_shared>>) target(%arg18 : memref<128x32xf32, #tpu.memory_space<vmem>>) offsets(%dma_start3A_648 : memref<128xi32, #tpu.memory_space<vmem>>) semaphore(%arg21 : memref<!tpu.dma_semaphore, #tpu.memory_space<semaphore_mem>>)
      } else {
      }
      %dma_wait3A_371 = arith.constant 0 : i32
      %dma_wait3A_372 = tpu.memref_slice %arg17[%add3A_91, %dma_wait3A_371] : memref<64x128xi32, #tpu.memory_space<vmem>> -> memref<1x128xi32, #tpu.memory_space<vmem>>
      %dma_wait3A_373 = tpu.memref_squeeze %dma_wait3A_372 : memref<1x128xi32, #tpu.memory_space<vmem>> -> memref<128xi32, #tpu.memory_space<vmem>>
      %dma_wait3A_374 = arith.constant 0 : i32
      %dma_wait3A_375 = arith.constant 0 : i32
      %dma_wait3A_376 = tpu.memref_slice %arg20[%dma_wait3A_374, %dma_wait3A_375] : memref<16384x32xf32, #tpu.memory_space<vmem_shared>> -> memref<16384x32xf32, #tpu.memory_space<vmem_shared>>
      tpu.wait_indirect_dma semaphore(%arg22 : memref<!tpu.dma_semaphore, #tpu.memory_space<semaphore_mem>>) src(%dma_wait3A_376 : memref<16384x32xf32, #tpu.memory_space<vmem_shared>>) dst(%arg19 : memref<128x32xf32, #tpu.memory_space<vmem>>)
      %jit3A_377 = arith.constant 2 : i32
      %div3A_378 = arith.divsi %add3A_91, %jit3A_377 : i32
      %sign3A_379 = arith.constant 0 : i32
      %sign3A_380 = arith.cmpi sgt, %add3A_91, %sign3A_379 : i32
      %sign3A_381 = arith.extui %sign3A_380 : i1 to i32
      %sign3A_382 = arith.constant 0 : i32
      %sign3A_383 = arith.cmpi slt, %add3A_91, %sign3A_382 : i32
      %sign3A_384 = arith.extui %sign3A_383 : i1 to i32
      %sign3A_385 = arith.subi %sign3A_381, %sign3A_384 : i32
      %sign3A_386 = arith.constant 0 : i32
      %sign3A_387 = arith.cmpi sgt, %jit3A_377, %sign3A_386 : i32
      %sign3A_388 = arith.extui %sign3A_387 : i1 to i32
      %sign3A_389 = arith.constant 0 : i32
      %sign3A_390 = arith.cmpi slt, %jit3A_377, %sign3A_389 : i32
      %sign3A_391 = arith.extui %sign3A_390 : i1 to i32
      %sign3A_392 = arith.subi %sign3A_388, %sign3A_391 : i32
      %ne3A_393 = arith.cmpi ne, %sign3A_385, %sign3A_392 : i32
      %rem3A_394 = arith.remsi %add3A_91, %jit3A_377 : i32
      %ne3A_395 = arith.constant 0 : i32
      %ne3A_396 = arith.cmpi ne, %rem3A_394, %ne3A_395 : i32
      %and3A_397 = arith.andi %ne3A_393, %ne3A_396 : i1
      %sub3A_398 = arith.constant 1 : i32
      %sub3A_399 = arith.subi %div3A_378, %sub3A_398 : i32
      %select_n3A_400 = arith.select %and3A_397, %sub3A_399, %div3A_378 : i32
      %jit3A_401 = arith.constant 2 : i32
      %eq3A_402 = arith.constant 0 : i32
      %eq3A_403 = arith.cmpi eq, %jit3A_401, %eq3A_402 : i32
      %jit3A_404 = arith.constant 1 : i32
      %select_n3A_405 = arith.select %eq3A_403, %jit3A_404, %jit3A_401 : i32
      %rem3A_406 = arith.remsi %add3A_91, %select_n3A_405 : i32
      %ne3A_407 = arith.constant 0 : i32
      %ne3A_408 = arith.cmpi ne, %rem3A_406, %ne3A_407 : i32
      %lt3A_409 = arith.constant 0 : i32
      %lt3A_410 = arith.cmpi slt, %rem3A_406, %lt3A_409 : i32
      %lt3A_411 = arith.constant 0 : i32
      %lt3A_412 = arith.cmpi slt, %select_n3A_405, %lt3A_411 : i32
      %ne3A_413 = arith.xori %lt3A_410, %lt3A_412 : i1
      %and3A_414 = arith.andi %ne3A_413, %ne3A_408 : i1
      %add3A_415 = arith.addi %rem3A_406, %select_n3A_405 : i32
      %select_n3A_416 = arith.select %and3A_414, %add3A_415, %rem3A_406 : i32
      %mul3A_417 = arith.constant 128 : i32
      %mul3A_418 = arith.muli %select_n3A_416, %mul3A_417 : i32
      %add3A_419 = arith.constant 0 : i32
      %add3A_420 = vector.broadcast %add3A_419 : i32 to vector<16xi32>
      %add3A_421 = arith.addi %add3A_420, %iota3A : vector<16xi32>
      %get3A_422 = arith.index_cast %add3A_91 : i32 to index
      %get3A_423 = arith.constant 0 : index
      %get3A_424 = tpu.vector_load %arg17[%get3A_422, %get3A_423] {strides = array<i32>} : memref<64x128xi32, #tpu.memory_space<vmem>>, vector<16xi32>,
      %sub3A_425 = vector.broadcast %mul3A_59 : i32 to vector<16xi32>
      %sub3A_426 = arith.subi %get3A_424, %sub3A_425 : vector<16xi32>
      %add3A_427 = arith.constant 0 : i32
      %add3A_428 = arith.addi %mul3A_418, %add3A_427 : i32
      %gather3A_429 = tpu.vector_load_idx %arg6[%sub3A_426] : memref<8192xf32, #tpu.memory_space<vmem>>[vector<16xi32>], vector<16xf32>,
      %get3A_430 = arith.index_cast %add3A_428 : i32 to index
      %get3A_431 = tpu.vector_load %arg9[%get3A_430] {strides = array<i32>} : memref<256xf32, #tpu.memory_space<vmem>>, vector<16xf32>,
      %sub3A_432 = arith.subf %gather3A_429, %get3A_431 : vector<16xf32>
      %gather3A_433 = tpu.vector_load_idx %arg7[%sub3A_426] : memref<8192xf32, #tpu.memory_space<vmem>>[vector<16xi32>], vector<16xf32>,
      %get3A_434 = arith.index_cast %add3A_428 : i32 to index
      %get3A_435 = tpu.vector_load %arg10[%get3A_434] {strides = array<i32>} : memref<256xf32, #tpu.memory_space<vmem>>, vector<16xf32>,
      %sub3A_436 = arith.subf %gather3A_433, %get3A_435 : vector<16xf32>
      %gather3A_437 = tpu.vector_load_idx %arg8[%sub3A_426] : memref<8192xf32, #tpu.memory_space<vmem>>[vector<16xi32>], vector<16xf32>,
      %get3A_438 = arith.index_cast %add3A_428 : i32 to index
      %get3A_439 = tpu.vector_load %arg11[%get3A_438] {strides = array<i32>} : memref<256xf32, #tpu.memory_space<vmem>>, vector<16xf32>,
      %sub3A_440 = arith.subf %gather3A_437, %get3A_439 : vector<16xf32>
      %broadcast_in_dim3A_441 = arith.constant 16 : i32
      %broadcast_in_dim3A_442 = vector.broadcast %broadcast_in_dim3A_441 : i32 to vector<16xi32>
      tpu.vector_store_idx %arg19[%add3A_421, %broadcast_in_dim3A_442], %sub3A_432 : memref<128x32xf32, #tpu.memory_space<vmem>>[vector<16xi32>, vector<16xi32>], vector<16xf32>,
      %broadcast_in_dim3A_443 = arith.constant 17 : i32
      %broadcast_in_dim3A_444 = vector.broadcast %broadcast_in_dim3A_443 : i32 to vector<16xi32>
      tpu.vector_store_idx %arg19[%add3A_421, %broadcast_in_dim3A_444], %sub3A_436 : memref<128x32xf32, #tpu.memory_space<vmem>>[vector<16xi32>, vector<16xi32>], vector<16xf32>,
      %broadcast_in_dim3A_445 = arith.constant 18 : i32
      %broadcast_in_dim3A_446 = vector.broadcast %broadcast_in_dim3A_445 : i32 to vector<16xi32>
      tpu.vector_store_idx %arg19[%add3A_421, %broadcast_in_dim3A_446], %sub3A_440 : memref<128x32xf32, #tpu.memory_space<vmem>>[vector<16xi32>, vector<16xi32>], vector<16xf32>,
      %add3A_447 = arith.constant 16 : i32
      %add3A_448 = vector.broadcast %add3A_447 : i32 to vector<16xi32>
      %add3A_449 = arith.addi %add3A_448, %iota3A : vector<16xi32>
      %get3A_450 = arith.index_cast %add3A_91 : i32 to index
      %get3A_451 = arith.constant 16 : index
      %get3A_452 = tpu.vector_load %arg17[%get3A_450, %get3A_451] {strides = array<i32>} : memref<64x128xi32, #tpu.memory_space<vmem>>, vector<16xi32>,
      %sub3A_453 = vector.broadcast %mul3A_59 : i32 to vector<16xi32>
      %sub3A_454 = arith.subi %get3A_452, %sub3A_453 : vector<16xi32>
      %add3A_455 = arith.constant 16 : i32
      %add3A_456 = arith.addi %mul3A_418, %add3A_455 : i32
      %gather3A_457 = tpu.vector_load_idx %arg6[%sub3A_454] : memref<8192xf32, #tpu.memory_space<vmem>>[vector<16xi32>], vector<16xf32>,
      %get3A_458 = arith.index_cast %add3A_456 : i32 to index
      %get3A_459 = tpu.vector_load %arg9[%get3A_458] {strides = array<i32>} : memref<256xf32, #tpu.memory_space<vmem>>, vector<16xf32>,
      %sub3A_460 = arith.subf %gather3A_457, %get3A_459 : vector<16xf32>
      %gather3A_461 = tpu.vector_load_idx %arg7[%sub3A_454] : memref<8192xf32, #tpu.memory_space<vmem>>[vector<16xi32>], vector<16xf32>,
      %get3A_462 = arith.index_cast %add3A_456 : i32 to index
      %get3A_463 = tpu.vector_load %arg10[%get3A_462] {strides = array<i32>} : memref<256xf32, #tpu.memory_space<vmem>>, vector<16xf32>,
      %sub3A_464 = arith.subf %gather3A_461, %get3A_463 : vector<16xf32>
      %gather3A_465 = tpu.vector_load_idx %arg8[%sub3A_454] : memref<8192xf32, #tpu.memory_space<vmem>>[vector<16xi32>], vector<16xf32>,
      %get3A_466 = arith.index_cast %add3A_456 : i32 to index
      %get3A_467 = tpu.vector_load %arg11[%get3A_466] {strides = array<i32>} : memref<256xf32, #tpu.memory_space<vmem>>, vector<16xf32>,
      %sub3A_468 = arith.subf %gather3A_465, %get3A_467 : vector<16xf32>
      %broadcast_in_dim3A_469 = arith.constant 16 : i32
      %broadcast_in_dim3A_470 = vector.broadcast %broadcast_in_dim3A_469 : i32 to vector<16xi32>
      tpu.vector_store_idx %arg19[%add3A_449, %broadcast_in_dim3A_470], %sub3A_460 : memref<128x32xf32, #tpu.memory_space<vmem>>[vector<16xi32>, vector<16xi32>], vector<16xf32>,
      %broadcast_in_dim3A_471 = arith.constant 17 : i32
      %broadcast_in_dim3A_472 = vector.broadcast %broadcast_in_dim3A_471 : i32 to vector<16xi32>
      tpu.vector_store_idx %arg19[%add3A_449, %broadcast_in_dim3A_472], %sub3A_464 : memref<128x32xf32, #tpu.memory_space<vmem>>[vector<16xi32>, vector<16xi32>], vector<16xf32>,
      %broadcast_in_dim3A_473 = arith.constant 18 : i32
      %broadcast_in_dim3A_474 = vector.broadcast %broadcast_in_dim3A_473 : i32 to vector<16xi32>
      tpu.vector_store_idx %arg19[%add3A_449, %broadcast_in_dim3A_474], %sub3A_468 : memref<128x32xf32, #tpu.memory_space<vmem>>[vector<16xi32>, vector<16xi32>], vector<16xf32>,
      %add3A_475 = arith.constant 32 : i32
      %add3A_476 = vector.broadcast %add3A_475 : i32 to vector<16xi32>
      %add3A_477 = arith.addi %add3A_476, %iota3A : vector<16xi32>
      %get3A_478 = arith.index_cast %add3A_91 : i32 to index
      %get3A_479 = arith.constant 32 : index
      %get3A_480 = tpu.vector_load %arg17[%get3A_478, %get3A_479] {strides = array<i32>} : memref<64x128xi32, #tpu.memory_space<vmem>>, vector<16xi32>,
      %sub3A_481 = vector.broadcast %mul3A_59 : i32 to vector<16xi32>
      %sub3A_482 = arith.subi %get3A_480, %sub3A_481 : vector<16xi32>
      %add3A_483 = arith.constant 32 : i32
      %add3A_484 = arith.addi %mul3A_418, %add3A_483 : i32
      %gather3A_485 = tpu.vector_load_idx %arg6[%sub3A_482] : memref<8192xf32, #tpu.memory_space<vmem>>[vector<16xi32>], vector<16xf32>,
      %get3A_486 = arith.index_cast %add3A_484 : i32 to index
      %get3A_487 = tpu.vector_load %arg9[%get3A_486] {strides = array<i32>} : memref<256xf32, #tpu.memory_space<vmem>>, vector<16xf32>,
      %sub3A_488 = arith.subf %gather3A_485, %get3A_487 : vector<16xf32>
      %gather3A_489 = tpu.vector_load_idx %arg7[%sub3A_482] : memref<8192xf32, #tpu.memory_space<vmem>>[vector<16xi32>], vector<16xf32>,
      %get3A_490 = arith.index_cast %add3A_484 : i32 to index
      %get3A_491 = tpu.vector_load %arg10[%get3A_490] {strides = array<i32>} : memref<256xf32, #tpu.memory_space<vmem>>, vector<16xf32>,
      %sub3A_492 = arith.subf %gather3A_489, %get3A_491 : vector<16xf32>
      %gather3A_493 = tpu.vector_load_idx %arg8[%sub3A_482] : memref<8192xf32, #tpu.memory_space<vmem>>[vector<16xi32>], vector<16xf32>,
      %get3A_494 = arith.index_cast %add3A_484 : i32 to index
      %get3A_495 = tpu.vector_load %arg11[%get3A_494] {strides = array<i32>} : memref<256xf32, #tpu.memory_space<vmem>>, vector<16xf32>,
      %sub3A_496 = arith.subf %gather3A_493, %get3A_495 : vector<16xf32>
      %broadcast_in_dim3A_497 = arith.constant 16 : i32
      %broadcast_in_dim3A_498 = vector.broadcast %broadcast_in_dim3A_497 : i32 to vector<16xi32>
      tpu.vector_store_idx %arg19[%add3A_477, %broadcast_in_dim3A_498], %sub3A_488 : memref<128x32xf32, #tpu.memory_space<vmem>>[vector<16xi32>, vector<16xi32>], vector<16xf32>,
      %broadcast_in_dim3A_499 = arith.constant 17 : i32
      %broadcast_in_dim3A_500 = vector.broadcast %broadcast_in_dim3A_499 : i32 to vector<16xi32>
      tpu.vector_store_idx %arg19[%add3A_477, %broadcast_in_dim3A_500], %sub3A_492 : memref<128x32xf32, #tpu.memory_space<vmem>>[vector<16xi32>, vector<16xi32>], vector<16xf32>,
      %broadcast_in_dim3A_501 = arith.constant 18 : i32
      %broadcast_in_dim3A_502 = vector.broadcast %broadcast_in_dim3A_501 : i32 to vector<16xi32>
      tpu.vector_store_idx %arg19[%add3A_477, %broadcast_in_dim3A_502], %sub3A_496 : memref<128x32xf32, #tpu.memory_space<vmem>>[vector<16xi32>, vector<16xi32>], vector<16xf32>,
      %add3A_503 = arith.constant 48 : i32
      %add3A_504 = vector.broadcast %add3A_503 : i32 to vector<16xi32>
      %add3A_505 = arith.addi %add3A_504, %iota3A : vector<16xi32>
      %get3A_506 = arith.index_cast %add3A_91 : i32 to index
      %get3A_507 = arith.constant 48 : index
      %get3A_508 = tpu.vector_load %arg17[%get3A_506, %get3A_507] {strides = array<i32>} : memref<64x128xi32, #tpu.memory_space<vmem>>, vector<16xi32>,
      %sub3A_509 = vector.broadcast %mul3A_59 : i32 to vector<16xi32>
      %sub3A_510 = arith.subi %get3A_508, %sub3A_509 : vector<16xi32>
      %add3A_511 = arith.constant 48 : i32
      %add3A_512 = arith.addi %mul3A_418, %add3A_511 : i32
      %gather3A_513 = tpu.vector_load_idx %arg6[%sub3A_510] : memref<8192xf32, #tpu.memory_space<vmem>>[vector<16xi32>], vector<16xf32>,
      %get3A_514 = arith.index_cast %add3A_512 : i32 to index
      %get3A_515 = tpu.vector_load %arg9[%get3A_514] {strides = array<i32>} : memref<256xf32, #tpu.memory_space<vmem>>, vector<16xf32>,
      %sub3A_516 = arith.subf %gather3A_513, %get3A_515 : vector<16xf32>
      %gather3A_517 = tpu.vector_load_idx %arg7[%sub3A_510] : memref<8192xf32, #tpu.memory_space<vmem>>[vector<16xi32>], vector<16xf32>,
      %get3A_518 = arith.index_cast %add3A_512 : i32 to index
      %get3A_519 = tpu.vector_load %arg10[%get3A_518] {strides = array<i32>} : memref<256xf32, #tpu.memory_space<vmem>>, vector<16xf32>,
      %sub3A_520 = arith.subf %gather3A_517, %get3A_519 : vector<16xf32>
      %gather3A_521 = tpu.vector_load_idx %arg8[%sub3A_510] : memref<8192xf32, #tpu.memory_space<vmem>>[vector<16xi32>], vector<16xf32>,
      %get3A_522 = arith.index_cast %add3A_512 : i32 to index
      %get3A_523 = tpu.vector_load %arg11[%get3A_522] {strides = array<i32>} : memref<256xf32, #tpu.memory_space<vmem>>, vector<16xf32>,
      %sub3A_524 = arith.subf %gather3A_521, %get3A_523 : vector<16xf32>
      %broadcast_in_dim3A_525 = arith.constant 16 : i32
      %broadcast_in_dim3A_526 = vector.broadcast %broadcast_in_dim3A_525 : i32 to vector<16xi32>
      tpu.vector_store_idx %arg19[%add3A_505, %broadcast_in_dim3A_526], %sub3A_516 : memref<128x32xf32, #tpu.memory_space<vmem>>[vector<16xi32>, vector<16xi32>], vector<16xf32>,
      %broadcast_in_dim3A_527 = arith.constant 17 : i32
      %broadcast_in_dim3A_528 = vector.broadcast %broadcast_in_dim3A_527 : i32 to vector<16xi32>
      tpu.vector_store_idx %arg19[%add3A_505, %broadcast_in_dim3A_528], %sub3A_520 : memref<128x32xf32, #tpu.memory_space<vmem>>[vector<16xi32>, vector<16xi32>], vector<16xf32>,
      %broadcast_in_dim3A_529 = arith.constant 18 : i32
      %broadcast_in_dim3A_530 = vector.broadcast %broadcast_in_dim3A_529 : i32 to vector<16xi32>
      tpu.vector_store_idx %arg19[%add3A_505, %broadcast_in_dim3A_530], %sub3A_524 : memref<128x32xf32, #tpu.memory_space<vmem>>[vector<16xi32>, vector<16xi32>], vector<16xf32>,
      %add3A_531 = arith.constant 64 : i32
      %add3A_532 = vector.broadcast %add3A_531 : i32 to vector<16xi32>
      %add3A_533 = arith.addi %add3A_532, %iota3A : vector<16xi32>
      %get3A_534 = arith.index_cast %add3A_91 : i32 to index
      %get3A_535 = arith.constant 64 : index
      %get3A_536 = tpu.vector_load %arg17[%get3A_534, %get3A_535] {strides = array<i32>} : memref<64x128xi32, #tpu.memory_space<vmem>>, vector<16xi32>,
      %sub3A_537 = vector.broadcast %mul3A_59 : i32 to vector<16xi32>
      %sub3A_538 = arith.subi %get3A_536, %sub3A_537 : vector<16xi32>
      %add3A_539 = arith.constant 64 : i32
      %add3A_540 = arith.addi %mul3A_418, %add3A_539 : i32
      %gather3A_541 = tpu.vector_load_idx %arg6[%sub3A_538] : memref<8192xf32, #tpu.memory_space<vmem>>[vector<16xi32>], vector<16xf32>,
      %get3A_542 = arith.index_cast %add3A_540 : i32 to index
      %get3A_543 = tpu.vector_load %arg9[%get3A_542] {strides = array<i32>} : memref<256xf32, #tpu.memory_space<vmem>>, vector<16xf32>,
      %sub3A_544 = arith.subf %gather3A_541, %get3A_543 : vector<16xf32>
      %gather3A_545 = tpu.vector_load_idx %arg7[%sub3A_538] : memref<8192xf32, #tpu.memory_space<vmem>>[vector<16xi32>], vector<16xf32>,
      %get3A_546 = arith.index_cast %add3A_540 : i32 to index
      %get3A_547 = tpu.vector_load %arg10[%get3A_546] {strides = array<i32>} : memref<256xf32, #tpu.memory_space<vmem>>, vector<16xf32>,
      %sub3A_548 = arith.subf %gather3A_545, %get3A_547 : vector<16xf32>
      %gather3A_549 = tpu.vector_load_idx %arg8[%sub3A_538] : memref<8192xf32, #tpu.memory_space<vmem>>[vector<16xi32>], vector<16xf32>,
      %get3A_550 = arith.index_cast %add3A_540 : i32 to index
      %get3A_551 = tpu.vector_load %arg11[%get3A_550] {strides = array<i32>} : memref<256xf32, #tpu.memory_space<vmem>>, vector<16xf32>,
      %sub3A_552 = arith.subf %gather3A_549, %get3A_551 : vector<16xf32>
      %broadcast_in_dim3A_553 = arith.constant 16 : i32
      %broadcast_in_dim3A_554 = vector.broadcast %broadcast_in_dim3A_553 : i32 to vector<16xi32>
      tpu.vector_store_idx %arg19[%add3A_533, %broadcast_in_dim3A_554], %sub3A_544 : memref<128x32xf32, #tpu.memory_space<vmem>>[vector<16xi32>, vector<16xi32>], vector<16xf32>,
      %broadcast_in_dim3A_555 = arith.constant 17 : i32
      %broadcast_in_dim3A_556 = vector.broadcast %broadcast_in_dim3A_555 : i32 to vector<16xi32>
      tpu.vector_store_idx %arg19[%add3A_533, %broadcast_in_dim3A_556], %sub3A_548 : memref<128x32xf32, #tpu.memory_space<vmem>>[vector<16xi32>, vector<16xi32>], vector<16xf32>,
      %broadcast_in_dim3A_557 = arith.constant 18 : i32
      %broadcast_in_dim3A_558 = vector.broadcast %broadcast_in_dim3A_557 : i32 to vector<16xi32>
      tpu.vector_store_idx %arg19[%add3A_533, %broadcast_in_dim3A_558], %sub3A_552 : memref<128x32xf32, #tpu.memory_space<vmem>>[vector<16xi32>, vector<16xi32>], vector<16xf32>,
      %add3A_559 = arith.constant 80 : i32
      %add3A_560 = vector.broadcast %add3A_559 : i32 to vector<16xi32>
      %add3A_561 = arith.addi %add3A_560, %iota3A : vector<16xi32>
      %get3A_562 = arith.index_cast %add3A_91 : i32 to index
      %get3A_563 = arith.constant 80 : index
      %get3A_564 = tpu.vector_load %arg17[%get3A_562, %get3A_563] {strides = array<i32>} : memref<64x128xi32, #tpu.memory_space<vmem>>, vector<16xi32>,
      %sub3A_565 = vector.broadcast %mul3A_59 : i32 to vector<16xi32>
      %sub3A_566 = arith.subi %get3A_564, %sub3A_565 : vector<16xi32>
      %add3A_567 = arith.constant 80 : i32
      %add3A_568 = arith.addi %mul3A_418, %add3A_567 : i32
      %gather3A_569 = tpu.vector_load_idx %arg6[%sub3A_566] : memref<8192xf32, #tpu.memory_space<vmem>>[vector<16xi32>], vector<16xf32>,
      %get3A_570 = arith.index_cast %add3A_568 : i32 to index
      %get3A_571 = tpu.vector_load %arg9[%get3A_570] {strides = array<i32>} : memref<256xf32, #tpu.memory_space<vmem>>, vector<16xf32>,
      %sub3A_572 = arith.subf %gather3A_569, %get3A_571 : vector<16xf32>
      %gather3A_573 = tpu.vector_load_idx %arg7[%sub3A_566] : memref<8192xf32, #tpu.memory_space<vmem>>[vector<16xi32>], vector<16xf32>,
      %get3A_574 = arith.index_cast %add3A_568 : i32 to index
      %get3A_575 = tpu.vector_load %arg10[%get3A_574] {strides = array<i32>} : memref<256xf32, #tpu.memory_space<vmem>>, vector<16xf32>,
      %sub3A_576 = arith.subf %gather3A_573, %get3A_575 : vector<16xf32>
      %gather3A_577 = tpu.vector_load_idx %arg8[%sub3A_566] : memref<8192xf32, #tpu.memory_space<vmem>>[vector<16xi32>], vector<16xf32>,
      %get3A_578 = arith.index_cast %add3A_568 : i32 to index
      %get3A_579 = tpu.vector_load %arg11[%get3A_578] {strides = array<i32>} : memref<256xf32, #tpu.memory_space<vmem>>, vector<16xf32>,
      %sub3A_580 = arith.subf %gather3A_577, %get3A_579 : vector<16xf32>
      %broadcast_in_dim3A_581 = arith.constant 16 : i32
      %broadcast_in_dim3A_582 = vector.broadcast %broadcast_in_dim3A_581 : i32 to vector<16xi32>
      tpu.vector_store_idx %arg19[%add3A_561, %broadcast_in_dim3A_582], %sub3A_572 : memref<128x32xf32, #tpu.memory_space<vmem>>[vector<16xi32>, vector<16xi32>], vector<16xf32>,
      %broadcast_in_dim3A_583 = arith.constant 17 : i32
      %broadcast_in_dim3A_584 = vector.broadcast %broadcast_in_dim3A_583 : i32 to vector<16xi32>
      tpu.vector_store_idx %arg19[%add3A_561, %broadcast_in_dim3A_584], %sub3A_576 : memref<128x32xf32, #tpu.memory_space<vmem>>[vector<16xi32>, vector<16xi32>], vector<16xf32>,
      %broadcast_in_dim3A_585 = arith.constant 18 : i32
      %broadcast_in_dim3A_586 = vector.broadcast %broadcast_in_dim3A_585 : i32 to vector<16xi32>
      tpu.vector_store_idx %arg19[%add3A_561, %broadcast_in_dim3A_586], %sub3A_580 : memref<128x32xf32, #tpu.memory_space<vmem>>[vector<16xi32>, vector<16xi32>], vector<16xf32>,
      %add3A_587 = arith.constant 96 : i32
      %add3A_588 = vector.broadcast %add3A_587 : i32 to vector<16xi32>
      %add3A_589 = arith.addi %add3A_588, %iota3A : vector<16xi32>
      %get3A_590 = arith.index_cast %add3A_91 : i32 to index
      %get3A_591 = arith.constant 96 : index
      %get3A_592 = tpu.vector_load %arg17[%get3A_590, %get3A_591] {strides = array<i32>} : memref<64x128xi32, #tpu.memory_space<vmem>>, vector<16xi32>,
      %sub3A_593 = vector.broadcast %mul3A_59 : i32 to vector<16xi32>
      %sub3A_594 = arith.subi %get3A_592, %sub3A_593 : vector<16xi32>
      %add3A_595 = arith.constant 96 : i32
      %add3A_596 = arith.addi %mul3A_418, %add3A_595 : i32
      %gather3A_597 = tpu.vector_load_idx %arg6[%sub3A_594] : memref<8192xf32, #tpu.memory_space<vmem>>[vector<16xi32>], vector<16xf32>,
      %get3A_598 = arith.index_cast %add3A_596 : i32 to index
      %get3A_599 = tpu.vector_load %arg9[%get3A_598] {strides = array<i32>} : memref<256xf32, #tpu.memory_space<vmem>>, vector<16xf32>,
      %sub3A_600 = arith.subf %gather3A_597, %get3A_599 : vector<16xf32>
      %gather3A_601 = tpu.vector_load_idx %arg7[%sub3A_594] : memref<8192xf32, #tpu.memory_space<vmem>>[vector<16xi32>], vector<16xf32>,
      %get3A_602 = arith.index_cast %add3A_596 : i32 to index
      %get3A_603 = tpu.vector_load %arg10[%get3A_602] {strides = array<i32>} : memref<256xf32, #tpu.memory_space<vmem>>, vector<16xf32>,
      %sub3A_604 = arith.subf %gather3A_601, %get3A_603 : vector<16xf32>
      %gather3A_605 = tpu.vector_load_idx %arg8[%sub3A_594] : memref<8192xf32, #tpu.memory_space<vmem>>[vector<16xi32>], vector<16xf32>,
      %get3A_606 = arith.index_cast %add3A_596 : i32 to index
      %get3A_607 = tpu.vector_load %arg11[%get3A_606] {strides = array<i32>} : memref<256xf32, #tpu.memory_space<vmem>>, vector<16xf32>,
      %sub3A_608 = arith.subf %gather3A_605, %get3A_607 : vector<16xf32>
      %broadcast_in_dim3A_609 = arith.constant 16 : i32
      %broadcast_in_dim3A_610 = vector.broadcast %broadcast_in_dim3A_609 : i32 to vector<16xi32>
      tpu.vector_store_idx %arg19[%add3A_589, %broadcast_in_dim3A_610], %sub3A_600 : memref<128x32xf32, #tpu.memory_space<vmem>>[vector<16xi32>, vector<16xi32>], vector<16xf32>,
      %broadcast_in_dim3A_611 = arith.constant 17 : i32
      %broadcast_in_dim3A_612 = vector.broadcast %broadcast_in_dim3A_611 : i32 to vector<16xi32>
      tpu.vector_store_idx %arg19[%add3A_589, %broadcast_in_dim3A_612], %sub3A_604 : memref<128x32xf32, #tpu.memory_space<vmem>>[vector<16xi32>, vector<16xi32>], vector<16xf32>,
      %broadcast_in_dim3A_613 = arith.constant 18 : i32
      %broadcast_in_dim3A_614 = vector.broadcast %broadcast_in_dim3A_613 : i32 to vector<16xi32>
      tpu.vector_store_idx %arg19[%add3A_589, %broadcast_in_dim3A_614], %sub3A_608 : memref<128x32xf32, #tpu.memory_space<vmem>>[vector<16xi32>, vector<16xi32>], vector<16xf32>,
      %add3A_615 = arith.constant 112 : i32
      %add3A_616 = vector.broadcast %add3A_615 : i32 to vector<16xi32>
      %add3A_617 = arith.addi %add3A_616, %iota3A : vector<16xi32>
      %get3A_618 = arith.index_cast %add3A_91 : i32 to index
      %get3A_619 = arith.constant 112 : index
      %get3A_620 = tpu.vector_load %arg17[%get3A_618, %get3A_619] {strides = array<i32>} : memref<64x128xi32, #tpu.memory_space<vmem>>, vector<16xi32>,
      %sub3A_621 = vector.broadcast %mul3A_59 : i32 to vector<16xi32>
      %sub3A_622 = arith.subi %get3A_620, %sub3A_621 : vector<16xi32>
      %add3A_623 = arith.constant 112 : i32
      %add3A_624 = arith.addi %mul3A_418, %add3A_623 : i32
      %gather3A_625 = tpu.vector_load_idx %arg6[%sub3A_622] : memref<8192xf32, #tpu.memory_space<vmem>>[vector<16xi32>], vector<16xf32>,
      %get3A_626 = arith.index_cast %add3A_624 : i32 to index
      %get3A_627 = tpu.vector_load %arg9[%get3A_626] {strides = array<i32>} : memref<256xf32, #tpu.memory_space<vmem>>, vector<16xf32>,
      %sub3A_628 = arith.subf %gather3A_625, %get3A_627 : vector<16xf32>
      %gather3A_629 = tpu.vector_load_idx %arg7[%sub3A_622] : memref<8192xf32, #tpu.memory_space<vmem>>[vector<16xi32>], vector<16xf32>,
      %get3A_630 = arith.index_cast %add3A_624 : i32 to index
      %get3A_631 = tpu.vector_load %arg10[%get3A_630] {strides = array<i32>} : memref<256xf32, #tpu.memory_space<vmem>>, vector<16xf32>,
      %sub3A_632 = arith.subf %gather3A_629, %get3A_631 : vector<16xf32>
      %gather3A_633 = tpu.vector_load_idx %arg8[%sub3A_622] : memref<8192xf32, #tpu.memory_space<vmem>>[vector<16xi32>], vector<16xf32>,
      %get3A_634 = arith.index_cast %add3A_624 : i32 to index
      %get3A_635 = tpu.vector_load %arg11[%get3A_634] {strides = array<i32>} : memref<256xf32, #tpu.memory_space<vmem>>, vector<16xf32>,
      %sub3A_636 = arith.subf %gather3A_633, %get3A_635 : vector<16xf32>
      %broadcast_in_dim3A_637 = arith.constant 16 : i32
      %broadcast_in_dim3A_638 = vector.broadcast %broadcast_in_dim3A_637 : i32 to vector<16xi32>
      tpu.vector_store_idx %arg19[%add3A_617, %broadcast_in_dim3A_638], %sub3A_628 : memref<128x32xf32, #tpu.memory_space<vmem>>[vector<16xi32>, vector<16xi32>], vector<16xf32>,
      %broadcast_in_dim3A_639 = arith.constant 17 : i32
      %broadcast_in_dim3A_640 = vector.broadcast %broadcast_in_dim3A_639 : i32 to vector<16xi32>
      tpu.vector_store_idx %arg19[%add3A_617, %broadcast_in_dim3A_640], %sub3A_632 : memref<128x32xf32, #tpu.memory_space<vmem>>[vector<16xi32>, vector<16xi32>], vector<16xf32>,
      %broadcast_in_dim3A_641 = arith.constant 18 : i32
      %broadcast_in_dim3A_642 = vector.broadcast %broadcast_in_dim3A_641 : i32 to vector<16xi32>
      tpu.vector_store_idx %arg19[%add3A_617, %broadcast_in_dim3A_642], %sub3A_636 : memref<128x32xf32, #tpu.memory_space<vmem>>[vector<16xi32>, vector<16xi32>], vector<16xf32>,
      %add3A_643 = arith.addi %mul3A_2, %mul3A_418 : i32
      "tpu.region"() ({
        %run_scoped3A = tpu.sem_alloc : memref<!tpu.dma_semaphore, #tpu.memory_space<semaphore_mem>>
        %dma_start3A_644 = arith.constant 0 : i32
        %dma_start3A_645 = tpu.memref_slice %arg5[%select_n3A_400, %add3A_643, %dma_start3A_644] : memref<32x8192x32xf32, #tpu.memory_space<hbm>> -> memref<1x128x32xf32, #tpu.memory_space<hbm>>
        %dma_start3A_646 = tpu.memref_squeeze %dma_start3A_645 : memref<1x128x32xf32, #tpu.memory_space<hbm>> -> memref<128x32xf32, #tpu.memory_space<hbm>>
        %dma_start3A_647 = arith.constant 0 : i32
        %dma_start3A_648 = tpu.memref_slice %arg5[%select_n3A_400, %add3A_643, %dma_start3A_647] : memref<32x8192x32xf32, #tpu.memory_space<hbm>> -> memref<1x128x32xf32, #tpu.memory_space<hbm>>
        %dma_start3A_649 = tpu.memref_squeeze %dma_start3A_648 : memref<1x128x32xf32, #tpu.memory_space<hbm>> -> memref<128x32xf32, #tpu.memory_space<hbm>>
        tpu.enqueue_dma source(%arg19 : memref<128x32xf32, #tpu.memory_space<vmem>>) target(%dma_start3A_649 : memref<128x32xf32, #tpu.memory_space<hbm>>) target_semaphore(%run_scoped3A : memref<!tpu.dma_semaphore, #tpu.memory_space<semaphore_mem>>)
        %dma_wait3A_650 = arith.constant 0 : i32
        %dma_wait3A_651 = tpu.memref_slice %arg5[%select_n3A_400, %add3A_643, %dma_wait3A_650] : memref<32x8192x32xf32, #tpu.memory_space<hbm>> -> memref<1x128x32xf32, #tpu.memory_space<hbm>>
        %dma_wait3A_652 = tpu.memref_squeeze %dma_wait3A_651 : memref<1x128x32xf32, #tpu.memory_space<hbm>> -> memref<128x32xf32, #tpu.memory_space<hbm>>
        %dma_wait3A_653 = arith.constant 0 : i32
        %dma_wait3A_654 = tpu.memref_slice %arg5[%select_n3A_400, %add3A_643, %dma_wait3A_653] : memref<32x8192x32xf32, #tpu.memory_space<hbm>> -> memref<1x128x32xf32, #tpu.memory_space<hbm>>
        %dma_wait3A_655 = tpu.memref_squeeze %dma_wait3A_654 : memref<1x128x32xf32, #tpu.memory_space<hbm>> -> memref<128x32xf32, #tpu.memory_space<hbm>>
        tpu.wait_dma2 semaphore(%run_scoped3A : memref<!tpu.dma_semaphore, #tpu.memory_space<semaphore_mem>>) src(%arg19 : memref<128x32xf32, #tpu.memory_space<vmem>>) dst(%dma_wait3A_655 : memref<128x32xf32, #tpu.memory_space<hbm>>)
        tpu.yield
      }) : () -> ()
    }
    %scan3A_86 = arith.constant 32 : i32
    return
  }
}

module attributes {stable_mosaic.version = 14 : i64} {
  func.func @_t1_body(%arg0: i32, %arg1: memref<1x8192x32xf32, #tpu.memory_space<vmem>>, %arg2: memref<32x32xf32, #tpu.memory_space<vmem>>, %arg3: memref<2x32xf32, #tpu.memory_space<vmem>>) attributes {dimension_semantics = [#tpu.dimension_semantics<arbitrary>], iteration_bounds = array<i64: 32>, scalar_prefetch = 0 : i64, scratch_operands = 0 : i64, tpu.core_type = #tpu.core_type<tc>, window_params = [{transform_indices = @transform_0, window_bounds = array<i64: 1, 8192, 32>}, {pipeline_mode = #tpu.pipeline_mode<synchronous>, transform_indices = @transform_1, window_bounds = array<i64: 32, 32>}, {pipeline_mode = #tpu.pipeline_mode<synchronous>, transform_indices = @transform_2, window_bounds = array<i64: 2, 32>}]} {
    %get3A = arith.constant 0 : index
    %get3A_0 = arith.constant 0 : index
    %get3A_1 = arith.constant 0 : index
    %get3A_2 = vector.load %arg1[%get3A, %get3A_0, %get3A_1] : memref<1x8192x32xf32, #tpu.memory_space<vmem>>, vector<1x8192x32xf32>
    %reshape3A = vector.shape_cast %get3A_2 : vector<1x8192x32xf32> to vector<8192x32xf32>
    %get3A_3 = arith.constant 0 : index
    %get3A_4 = arith.constant 0 : index
    %get3A_5 = vector.load %arg2[%get3A_3, %get3A_4] : memref<32x32xf32, #tpu.memory_space<vmem>>, vector<32x32xf32>
    %dot_general3A = arith.constant dense<0.000000e+00> : vector<8192x32xf32>
    %dot_general3A_6 = tpu.matmul %reshape3A, %get3A_5, %dot_general3A {dimension_numbers = #tpu.dot_dimension_numbers<[1], [1], [0], [0], [0, 0, 1, 0], [], []>, transpose_lhs_hint = false} : vector<8192x32xf32>, vector<32x32xf32>, vector<8192x32xf32> -> vector<8192x32xf32>
    %reduce_sum3A = arith.constant dense<0.000000e+00> : vector<32xf32>
    %reduce_sum3A_7 = vector.multi_reduction <add>, %dot_general3A_6, %reduce_sum3A [0] : vector<8192x32xf32> to vector<32xf32>
    %mul3A = arith.mulf %dot_general3A_6, %dot_general3A_6 : vector<8192x32xf32>
    %reduce_sum3A_8 = arith.constant dense<0.000000e+00> : vector<32xf32>
    %reduce_sum3A_9 = vector.multi_reduction <add>, %mul3A, %reduce_sum3A_8 [0] : vector<8192x32xf32> to vector<32xf32>
    %stack3A = vector.shape_cast %reduce_sum3A_7 : vector<32xf32> to vector<1x32xf32>
    %stack3A_10 = vector.shape_cast %reduce_sum3A_9 : vector<32xf32> to vector<1x32xf32>
    %stack3A_11 = tpu.concatenate %stack3A, %stack3A_10 in 0 : vector<1x32xf32>, vector<1x32xf32> -> vector<2x32xf32>
    %eq3A = arith.constant 0 : i32
    %eq3A_12 = arith.cmpi eq, %arg0, %eq3A : i32
    %convert_element_type3A = arith.extui %eq3A_12 : i1 to i32
    %cond3A = arith.constant 0 : i32
    %cond3A_13 = arith.cmpi ne, %convert_element_type3A, %cond3A : i32
    scf.if %cond3A_13 {
      %swap3A = arith.constant 0 : index
      %swap3A_18 = arith.constant 0 : index
      %swap3A_19 = vector.load %arg3[%swap3A, %swap3A_18] : memref<2x32xf32, #tpu.memory_space<vmem>>, vector<2x32xf32>
      tpu.vector_store %arg3[%swap3A, %swap3A_18], %stack3A_11 {strides = array<i32>} : memref<2x32xf32, #tpu.memory_space<vmem>>, vector<2x32xf32>,
    } else {
    }
    %gt3A = arith.constant 0 : i32
    %gt3A_14 = arith.cmpi sgt, %arg0, %gt3A : i32
    %convert_element_type3A_15 = arith.extui %gt3A_14 : i1 to i32
    %cond3A_16 = arith.constant 0 : i32
    %cond3A_17 = arith.cmpi ne, %convert_element_type3A_15, %cond3A_16 : i32
    scf.if %cond3A_17 {
      %get3A_18 = arith.constant 0 : index
      %get3A_19 = arith.constant 0 : index
      %get3A_20 = vector.load %arg3[%get3A_18, %get3A_19] : memref<2x32xf32, #tpu.memory_space<vmem>>, vector<2x32xf32>
      %add3A = arith.addf %get3A_20, %stack3A_11 : vector<2x32xf32>
      %swap3A = arith.constant 0 : index
      %swap3A_21 = arith.constant 0 : index
      %swap3A_22 = vector.load %arg3[%swap3A, %swap3A_21] : memref<2x32xf32, #tpu.memory_space<vmem>>, vector<2x32xf32>
      tpu.vector_store %arg3[%swap3A, %swap3A_21], %add3A {strides = array<i32>} : memref<2x32xf32, #tpu.memory_space<vmem>>, vector<2x32xf32>,
    } else {
    }
    return
  }
  func.func @transform_0(%arg0: i32) -> (i32, i32, i32) {
    %c0_i32 = arith.constant 0 : i32
    %c0_i32_0 = arith.constant 0 : i32
    %c0_i32_1 = arith.constant 0 : i32
    return %arg0, %c0_i32, %c0_i32_0 : i32, i32, i32
  }
  func.func @transform_1(%arg0: i32) -> (i32, i32) {
    %c0_i32 = arith.constant 0 : i32
    %c0_i32_0 = arith.constant 0 : i32
    %c0_i32_1 = arith.constant 0 : i32
    return %c0_i32, %c0_i32_0 : i32, i32
  }
  func.func @transform_2(%arg0: i32) -> (i32, i32) {
    %c0_i32 = arith.constant 0 : i32
    %c0_i32_0 = arith.constant 0 : i32
    %c0_i32_1 = arith.constant 0 : i32
    return %c0_i32, %c0_i32_0 : i32, i32
  }
}

module attributes {stable_mosaic.version = 14 : i64} {
  func.func @_t2_body(%arg0: i32, %arg1: memref<1x8192x32xf32, #tpu.memory_space<vmem>>, %arg2: memref<32x32xf32, #tpu.memory_space<vmem>>, %arg3: memref<1x32xf32, #tpu.memory_space<vmem>>, %arg4: memref<1x32xf32, #tpu.memory_space<vmem>>, %arg5: memref<64x32xf32, #tpu.memory_space<vmem>>, %arg6: memref<8192x64xf32, #tpu.memory_space<vmem>>, %arg7: memref<2x64xf32, #tpu.memory_space<vmem>>) attributes {dimension_semantics = [#tpu.dimension_semantics<arbitrary>], iteration_bounds = array<i64: 32>, scalar_prefetch = 0 : i64, scratch_operands = 0 : i64, tpu.core_type = #tpu.core_type<tc>, window_params = [{transform_indices = @transform_0, window_bounds = array<i64: 1, 8192, 32>}, {pipeline_mode = #tpu.pipeline_mode<synchronous>, transform_indices = @transform_1, window_bounds = array<i64: 32, 32>}, {pipeline_mode = #tpu.pipeline_mode<synchronous>, transform_indices = @transform_2, window_bounds = array<i64: 1, 32>}, {pipeline_mode = #tpu.pipeline_mode<synchronous>, transform_indices = @transform_3, window_bounds = array<i64: 1, 32>}, {pipeline_mode = #tpu.pipeline_mode<synchronous>, transform_indices = @transform_4, window_bounds = array<i64: 64, 32>}, {pipeline_mode = #tpu.pipeline_mode<synchronous>, transform_indices = @transform_5, window_bounds = array<i64: 8192, 64>}, {pipeline_mode = #tpu.pipeline_mode<synchronous>, transform_indices = @transform_6, window_bounds = array<i64: 2, 64>}]} {
    %get3A = arith.constant 0 : index
    %get3A_0 = arith.constant 0 : index
    %get3A_1 = arith.constant 0 : index
    %get3A_2 = vector.load %arg1[%get3A, %get3A_0, %get3A_1] : memref<1x8192x32xf32, #tpu.memory_space<vmem>>, vector<1x8192x32xf32>
    %reshape3A = vector.shape_cast %get3A_2 : vector<1x8192x32xf32> to vector<8192x32xf32>
    %get3A_3 = arith.constant 0 : index
    %get3A_4 = arith.constant 0 : index
    %get3A_5 = vector.load %arg2[%get3A_3, %get3A_4] : memref<32x32xf32, #tpu.memory_space<vmem>>, vector<32x32xf32>
    %dot_general3A = arith.constant dense<0.000000e+00> : vector<8192x32xf32>
    %dot_general3A_6 = tpu.matmul %reshape3A, %get3A_5, %dot_general3A {dimension_numbers = #tpu.dot_dimension_numbers<[1], [1], [0], [0], [0, 0, 1, 0], [], []>, transpose_lhs_hint = false} : vector<8192x32xf32>, vector<32x32xf32>, vector<8192x32xf32> -> vector<8192x32xf32>
    %get3A_7 = arith.constant 0 : index
    %get3A_8 = arith.constant 0 : index
    %get3A_9 = vector.load %arg3[%get3A_7, %get3A_8] : memref<1x32xf32, #tpu.memory_space<vmem>>, vector<1x32xf32>
    %mul3A = vector.broadcast %get3A_9 : vector<1x32xf32> to vector<8192x32xf32>
    %mul3A_10 = arith.mulf %dot_general3A_6, %mul3A : vector<8192x32xf32>
    %get3A_11 = arith.constant 0 : index
    %get3A_12 = arith.constant 0 : index
    %get3A_13 = vector.load %arg4[%get3A_11, %get3A_12] : memref<1x32xf32, #tpu.memory_space<vmem>>, vector<1x32xf32>
    %add3A = vector.broadcast %get3A_13 : vector<1x32xf32> to vector<8192x32xf32>
    %add3A_14 = arith.addf %mul3A_10, %add3A : vector<8192x32xf32>
    %mul3A_15 = arith.constant 5.000000e-01 : f32
    %mul3A_16 = vector.broadcast %mul3A_15 : f32 to vector<8192x32xf32>
    %mul3A_17 = arith.mulf %mul3A_16, %add3A_14 : vector<8192x32xf32>
    %mul3A_18 = arith.constant 0.707106769 : f32
    %mul3A_19 = vector.broadcast %mul3A_18 : f32 to vector<8192x32xf32>
    %mul3A_20 = arith.mulf %add3A_14, %mul3A_19 : vector<8192x32xf32>
    %erf3A = math.erf %mul3A_20 : vector<8192x32xf32>
    %add3A_21 = arith.constant 1.000000e+00 : f32
    %add3A_22 = vector.broadcast %add3A_21 : f32 to vector<8192x32xf32>
    %add3A_23 = arith.addf %add3A_22, %erf3A : vector<8192x32xf32>
    %mul3A_24 = arith.mulf %mul3A_17, %add3A_23 : vector<8192x32xf32>
    %get3A_25 = arith.constant 0 : index
    %get3A_26 = arith.constant 0 : index
    %get3A_27 = vector.load %arg5[%get3A_25, %get3A_26] : memref<64x32xf32, #tpu.memory_space<vmem>>, vector<64x32xf32>
    %dot_general3A_28 = arith.constant dense<0.000000e+00> : vector<8192x64xf32>
    %dot_general3A_29 = tpu.matmul %mul3A_24, %get3A_27, %dot_general3A_28 {dimension_numbers = #tpu.dot_dimension_numbers<[1], [1], [0], [0], [0, 0, 1, 0], [], []>, transpose_lhs_hint = false} : vector<8192x32xf32>, vector<64x32xf32>, vector<8192x64xf32> -> vector<8192x64xf32>
    %eq3A = arith.constant 0 : i32
    %eq3A_30 = arith.cmpi eq, %arg0, %eq3A : i32
    %convert_element_type3A = arith.extui %eq3A_30 : i1 to i32
    %cond3A = arith.constant 0 : i32
    %cond3A_31 = arith.cmpi ne, %convert_element_type3A, %cond3A : i32
    scf.if %cond3A_31 {
      %swap3A = arith.constant 0 : index
      %swap3A_41 = arith.constant 0 : index
      %swap3A_42 = vector.load %arg6[%swap3A, %swap3A_41] : memref<8192x64xf32, #tpu.memory_space<vmem>>, vector<8192x64xf32>
      tpu.vector_store %arg6[%swap3A, %swap3A_41], %dot_general3A_29 {strides = array<i32>} : memref<8192x64xf32, #tpu.memory_space<vmem>>, vector<8192x64xf32>,
    } else {
    }
    %gt3A = arith.constant 0 : i32
    %gt3A_32 = arith.cmpi sgt, %arg0, %gt3A : i32
    %convert_element_type3A_33 = arith.extui %gt3A_32 : i1 to i32
    %cond3A_34 = arith.constant 0 : i32
    %cond3A_35 = arith.cmpi ne, %convert_element_type3A_33, %cond3A_34 : i32
    scf.if %cond3A_35 {
      %get3A_41 = arith.constant 0 : index
      %get3A_42 = arith.constant 0 : index
      %get3A_43 = vector.load %arg6[%get3A_41, %get3A_42] : memref<8192x64xf32, #tpu.memory_space<vmem>>, vector<8192x64xf32>
      %max3A = arith.maximumf %get3A_43, %dot_general3A_29 : vector<8192x64xf32>
      %swap3A = arith.constant 0 : index
      %swap3A_44 = arith.constant 0 : index
      %swap3A_45 = vector.load %arg6[%swap3A, %swap3A_44] : memref<8192x64xf32, #tpu.memory_space<vmem>>, vector<8192x64xf32>
      tpu.vector_store %arg6[%swap3A, %swap3A_44], %max3A {strides = array<i32>} : memref<8192x64xf32, #tpu.memory_space<vmem>>, vector<8192x64xf32>,
    } else {
    }
    %eq3A_36 = arith.constant 31 : i32
    %eq3A_37 = arith.cmpi eq, %arg0, %eq3A_36 : i32
    %convert_element_type3A_38 = arith.extui %eq3A_37 : i1 to i32
    %cond3A_39 = arith.constant 0 : i32
    %cond3A_40 = arith.cmpi ne, %convert_element_type3A_38, %cond3A_39 : i32
    scf.if %cond3A_40 {
      %get3A_41 = arith.constant 0 : index
      %get3A_42 = arith.constant 0 : index
      %get3A_43 = vector.load %arg6[%get3A_41, %get3A_42] : memref<8192x64xf32, #tpu.memory_space<vmem>>, vector<8192x64xf32>
      %reduce_sum3A = arith.constant dense<0.000000e+00> : vector<64xf32>
      %reduce_sum3A_44 = vector.multi_reduction <add>, %get3A_43, %reduce_sum3A [0] : vector<8192x64xf32> to vector<64xf32>
      %mul3A_45 = arith.mulf %get3A_43, %get3A_43 : vector<8192x64xf32>
      %reduce_sum3A_46 = arith.constant dense<0.000000e+00> : vector<64xf32>
      %reduce_sum3A_47 = vector.multi_reduction <add>, %mul3A_45, %reduce_sum3A_46 [0] : vector<8192x64xf32> to vector<64xf32>
      %stack3A = vector.shape_cast %reduce_sum3A_44 : vector<64xf32> to vector<1x64xf32>
      %stack3A_48 = vector.shape_cast %reduce_sum3A_47 : vector<64xf32> to vector<1x64xf32>
      %stack3A_49 = tpu.concatenate %stack3A, %stack3A_48 in 0 : vector<1x64xf32>, vector<1x64xf32> -> vector<2x64xf32>
      %swap3A = arith.constant 0 : index
      %swap3A_50 = arith.constant 0 : index
      %swap3A_51 = vector.load %arg7[%swap3A, %swap3A_50] : memref<2x64xf32, #tpu.memory_space<vmem>>, vector<2x64xf32>
      tpu.vector_store %arg7[%swap3A, %swap3A_50], %stack3A_49 {strides = array<i32>} : memref<2x64xf32, #tpu.memory_space<vmem>>, vector<2x64xf32>,
    } else {
    }
    return
  }
  func.func @transform_0(%arg0: i32) -> (i32, i32, i32) {
    %c0_i32 = arith.constant 0 : i32
    %c0_i32_0 = arith.constant 0 : i32
    %c0_i32_1 = arith.constant 0 : i32
    return %arg0, %c0_i32, %c0_i32_0 : i32, i32, i32
  }
  func.func @transform_1(%arg0: i32) -> (i32, i32) {
    %c0_i32 = arith.constant 0 : i32
    %c0_i32_0 = arith.constant 0 : i32
    %c0_i32_1 = arith.constant 0 : i32
    return %c0_i32, %c0_i32_0 : i32, i32
  }
  func.func @transform_2(%arg0: i32) -> (i32, i32) {
    %c0_i32 = arith.constant 0 : i32
    %c0_i32_0 = arith.constant 0 : i32
    %c0_i32_1 = arith.constant 0 : i32
    return %c0_i32, %c0_i32_0 : i32, i32
  }
  func.func @transform_3(%arg0: i32) -> (i32, i32) {
    %c0_i32 = arith.constant 0 : i32
    %c0_i32_0 = arith.constant 0 : i32
    %c0_i32_1 = arith.constant 0 : i32
    return %c0_i32, %c0_i32_0 : i32, i32
  }
  func.func @transform_4(%arg0: i32) -> (i32, i32) {
    %c0_i32 = arith.constant 0 : i32
    %c0_i32_0 = arith.constant 0 : i32
    %c0_i32_1 = arith.constant 0 : i32
    return %c0_i32, %c0_i32_0 : i32, i32
  }
  func.func @transform_5(%arg0: i32) -> (i32, i32) {
    %c0_i32 = arith.constant 0 : i32
    %c0_i32_0 = arith.constant 0 : i32
    %c0_i32_1 = arith.constant 0 : i32
    return %c0_i32, %c0_i32_0 : i32, i32
  }
  func.func @transform_6(%arg0: i32) -> (i32, i32) {
    %c0_i32 = arith.constant 0 : i32
    %c0_i32_0 = arith.constant 0 : i32
    %c0_i32_1 = arith.constant 0 : i32
    return %c0_i32, %c0_i32_0 : i32, i32
  }
}

module attributes {stable_mosaic.version = 14 : i64} {
  func.func @_t3_body(%arg0: i32, %arg1: memref<8192x64xf32, #tpu.memory_space<vmem>>, %arg2: memref<1x64xf32, #tpu.memory_space<vmem>>, %arg3: memref<1x64xf32, #tpu.memory_space<vmem>>, %arg4: memref<4x2048x64xf32, #tpu.memory_space<vmem>>) attributes {dimension_semantics = [#tpu.dimension_semantics<arbitrary>], iteration_bounds = array<i64: 1>, scalar_prefetch = 0 : i64, scratch_operands = 0 : i64, tpu.core_type = #tpu.core_type<tc>, window_params = [{pipeline_mode = #tpu.pipeline_mode<synchronous>, transform_indices = @transform_0, window_bounds = array<i64: 8192, 64>}, {pipeline_mode = #tpu.pipeline_mode<synchronous>, transform_indices = @transform_1, window_bounds = array<i64: 1, 64>}, {pipeline_mode = #tpu.pipeline_mode<synchronous>, transform_indices = @transform_2, window_bounds = array<i64: 1, 64>}, {pipeline_mode = #tpu.pipeline_mode<synchronous>, transform_indices = @transform_3, window_bounds = array<i64: 4, 2048, 64>}]} {
    %get3A = arith.constant 0 : index
    %get3A_0 = arith.constant 0 : index
    %get3A_1 = vector.load %arg1[%get3A, %get3A_0] : memref<8192x64xf32, #tpu.memory_space<vmem>>, vector<8192x64xf32>
    %get3A_2 = arith.constant 0 : index
    %get3A_3 = arith.constant 0 : index
    %get3A_4 = vector.load %arg2[%get3A_2, %get3A_3] : memref<1x64xf32, #tpu.memory_space<vmem>>, vector<1x64xf32>
    %mul3A = vector.broadcast %get3A_4 : vector<1x64xf32> to vector<8192x64xf32>
    %mul3A_5 = arith.mulf %get3A_1, %mul3A : vector<8192x64xf32>
    %get3A_6 = arith.constant 0 : index
    %get3A_7 = arith.constant 0 : index
    %get3A_8 = vector.load %arg3[%get3A_6, %get3A_7] : memref<1x64xf32, #tpu.memory_space<vmem>>, vector<1x64xf32>
    %add3A = vector.broadcast %get3A_8 : vector<1x64xf32> to vector<8192x64xf32>
    %add3A_9 = arith.addf %mul3A_5, %add3A : vector<8192x64xf32>
    %mul3A_10 = arith.constant 5.000000e-01 : f32
    %mul3A_11 = vector.broadcast %mul3A_10 : f32 to vector<8192x64xf32>
    %mul3A_12 = arith.mulf %mul3A_11, %add3A_9 : vector<8192x64xf32>
    %mul3A_13 = arith.constant 0.707106769 : f32
    %mul3A_14 = vector.broadcast %mul3A_13 : f32 to vector<8192x64xf32>
    %mul3A_15 = arith.mulf %add3A_9, %mul3A_14 : vector<8192x64xf32>
    %erf3A = math.erf %mul3A_15 : vector<8192x64xf32>
    %add3A_16 = arith.constant 1.000000e+00 : f32
    %add3A_17 = vector.broadcast %add3A_16 : f32 to vector<8192x64xf32>
    %add3A_18 = arith.addf %add3A_17, %erf3A : vector<8192x64xf32>
    %mul3A_19 = arith.mulf %mul3A_12, %add3A_18 : vector<8192x64xf32>
    %reshape3A = vector.shape_cast %mul3A_19 : vector<8192x64xf32> to vector<4x2048x64xf32>
    %swap3A = arith.constant 0 : index
    %swap3A_20 = arith.constant 0 : index
    %swap3A_21 = arith.constant 0 : index
    %swap3A_22 = vector.load %arg4[%swap3A, %swap3A_20, %swap3A_21] : memref<4x2048x64xf32, #tpu.memory_space<vmem>>, vector<4x2048x64xf32>
    tpu.vector_store %arg4[%swap3A, %swap3A_20, %swap3A_21], %reshape3A {strides = array<i32>} : memref<4x2048x64xf32, #tpu.memory_space<vmem>>, vector<4x2048x64xf32>,
    return
  }
  func.func @transform_0(%arg0: i32) -> (i32, i32) {
    %c0_i32 = arith.constant 0 : i32
    %c0_i32_0 = arith.constant 0 : i32
    %c0_i32_1 = arith.constant 0 : i32
    return %c0_i32, %c0_i32_0 : i32, i32
  }
  func.func @transform_1(%arg0: i32) -> (i32, i32) {
    %c0_i32 = arith.constant 0 : i32
    %c0_i32_0 = arith.constant 0 : i32
    %c0_i32_1 = arith.constant 0 : i32
    return %c0_i32, %c0_i32_0 : i32, i32
  }
  func.func @transform_2(%arg0: i32) -> (i32, i32) {
    %c0_i32 = arith.constant 0 : i32
    %c0_i32_0 = arith.constant 0 : i32
    %c0_i32_1 = arith.constant 0 : i32
    return %c0_i32, %c0_i32_0 : i32, i32
  }
  func.func @transform_3(%arg0: i32) -> (i32, i32, i32) {
    %c0_i32 = arith.constant 0 : i32
    %c0_i32_0 = arith.constant 0 : i32
    %c0_i32_1 = arith.constant 0 : i32
    %c0_i32_2 = arith.constant 0 : i32
    return %c0_i32, %c0_i32_0, %c0_i32_1 : i32, i32, i32
  }
}

</mosaic_0001>

<sc_bundles>
// kernel: kernel.6.cloned.1.call-start
scs
__scs_entry_jumppad:
0x0: {  	(pc) =	sbr.rel $0x88, $3  }
0x1: {  	(tag) =	ssettag $0x0;
	lr =	simm.s32 $0x1  }
0x2: {  	[smem:$0x3F98] =	sst lr;
	_ =	strace $0xD0000000  }
0x3: {  	_ = 	snop  }
0x4: {  	_ = 	snop  }
0x5: {  	_ = 	snop  }
0x6: {  	_ = 	snop  }
0x7: {  	_ = 	snop  }
__scs_overlays_trampoline_lowered:
0x8: {  	[smem:$0x3FA7] =	sst s0  }
0x9: {  	[smem:$0x3FA8] =	sst s1  }
0xa: {  	[smem:$0x3FA9] =	sst s2  }
0xb: {  	[smem:$0x3FAA] =	sst s3  }
0xc: {  	[smem:$0x3FAB] =	sst s4  }
0xd: {  	[smem:$0x3FAC] =	sst s5  }
0xe: {  	[smem:$0x3FAD] =	sst s6  }
0xf: {  	[smem:$0x3FAE] =	sst s7  }
0x10: {  	[smem:$0x3FAF] =	sst s8  }
0x11: {  	[smem:$0x3FB0] =	sst s9;
	s0 =	simm.s32 @!p0 $0x0  }
0x12: {  	s1 =	sld [smem:$0x3F96];
	s0 =	simm.s32 @p0 $0x1  }
0x13: {  	[smem:$0x3FB1] =	sst s0;
	s0 =	simm.s32 @!p1 $0x0  }
0x14: {  	s2 =	sld [smem:$0x3F95];
	s0 =	simm.s32 @p1 $0x1  }
0x15: {  	[smem:$0x3FB2] =	sst s0;
	s0 =	simm.s32 @!p2 $0x0  }
0x16: {  	s3 =	sld [smem:$0x3FDB];
	s0 =	simm.s32 @p2 $0x1  }
0x17: {  	s4 =	simm.s32 $0x1BF5;
	[smem:$0x3FB4] =	sst s0  }
0x18: {  	s0 =	sld [smem:$0x3F97];
	_ =	swait.ge [sflag:s4], $0x0  }
0x19: {  	s7 =	sld [smem:$0x3F98]  }
0x1a: {  	s8 =	sadd.s32 $0xFFFFE003, lr  }
0x1b: {  	s9 =	sadd.s32 $0xFFFFFEF7, lr;
	s5 =	simm.s32 $0xFFFFFFFF;
	p2 =	slt.u32 s8, $0xFFFFF086  }
0x1c: {  	p1 =	slt.u32 s9, $0xF7A;
	s5 =	simm.s32 @!p2 $0x0  }
0x1d: {  	s5 =	simm.s32 @p1 $0x1;
	p0 =	seq.s32 s7, s2  }
0x1e: {  	s7 =	smul.u32 @!p0 $0xF7A, s2;
	p2 =	seq.s32 @!p0 s5, $0x0  }
0x1f: {  	s9 =	smul.u32 $0xF7A, s1;
	s8 =	simm.s32 @!p0 $0x1BF5;
	p2 =	por !p2, p0  }
0x20: {  	[sflag:s8] =	ssyncset.s32 @!p0 $0xFFFFF086;
	s6 =	sadd.s32 @!p0 s3, s7;
	s7 =	simm.s32 @!p0 $0x108  }
0x21: {  	s3 =	sadd.s32 s3, s9;
	s6 =	sadd.s32 @!p0 $0x88, s6;
	s7 =	simm.s32 @p2 $0x1082  }
0x22: {  	[simem:s7], [sflag:s8] =	dma.local @!p0 [hbm:s6], $0xF7A  }
0x23: {  	s9 =	sor.u32 $0xD0000000, s2;
	s6 =	simm.s32 $0x108;
	_ =	swait.ge @!p0 [sflag:s8], $0x0  }
0x24: {  	s3 =	sadd.s32 $0x88, s3;
	s6 =	simm.s32 @!p1 $0x1082;
	[sflag:s4] =	ssyncset.s32 $0xFFFFF086  }
0x25: {  	[simem:s6], [sflag:s4] =	dma.local [hbm:s3], $0xF7A  }
0x26: {  	[smem:$0x3F98] =	sst s1;
	(tag) =	ssettag s2;
	_ =	strace s9  }
0x27: {  	s1 =	sld [smem:$0x3FA8]  }
0x28: {  	s2 =	sld [smem:$0x3FA9]  }
0x29: {  	s4 =	sld [smem:$0x3FAB]  }
0x2a: {  	p0 =	seq.s32 s5, $0x0;
	s5 =	sld [smem:$0x3FAC]  }
0x2b: {  	s6 =	sld [smem:$0x3FAD]  }
0x2c: {  	s7 =	sld [smem:$0x3FAE]  }
0x2d: {  	s3 =	simm.s32 $0x108;
	s8 =	sld [smem:$0x3FAF]  }
0x2e: {  	s3 =	simm.s32 @!p0 $0x1082;
	s9 =	sld [smem:$0x3FB0]  }
0x2f: {  	lr =	sadd.s32 s0, s3;
	s0 =	sld [smem:$0x3FA7]  }
0x30: {  	s3 =	sld [smem:$0x3FAA]  }
0x31: {  	[smem:$0x3FB3] =	sst s10  }
0x32: {  	s10 =	sld [smem:$0x3FB1];
	_ =	sdelay $0x3  }
0x33: {  	p0 =	seq.s32 s10, $0x1;
	s10 =	sld [smem:$0x3FB3];
	_ =	sdelay $0x3  }
0x34: {  	[smem:$0x3FB3] =	sst s10  }
0x35: {  	s10 =	sld [smem:$0x3FB2];
	_ =	sdelay $0x3  }
0x36: {  	p1 =	seq.s32 s10, $0x1;
	s10 =	sld [smem:$0x3FB3];
	_ =	sdelay $0x3  }
0x37: {  	[smem:$0x3FB3] =	sst s10  }
0x38: {  	s10 =	sld [smem:$0x3FB4]  }
0x39: {  	_ = 	snop;
	(pc) =	sbr.ind lr, $3  }
0x3a: {  	_ = 	snop  }
0x3b: {  	_ = 	snop  }
0x3c: {  	p2 =	seq.s32 s10, $0x1;
	s10 =	sld [smem:$0x3FB3]  }
0x3d: {  	_ =	shalt  }
0x3e: {  	_ =	shalt  }
0x3f: {  	_ =	shalt  }
0x40: {  	_ =	shalt  }
0x41: {  	_ =	shalt  }
0x42: {  	_ =	shalt  }
0x43: {  	_ =	shalt  }
0x44: {  	_ =	shalt  }
0x45: {  	_ =	shalt  }
0x46: {  	_ =	shalt  }
0x47: {  	_ =	shalt  }
0x48: {  	_ =	shalt  }
0x49: {  	_ =	shalt  }
0x4a: {  	_ =	shalt  }
0x4b: {  	_ =	shalt  }
0x4c: {  	_ =	shalt  }
0x4d: {  	_ =	shalt  }
0x4e: {  	_ =	shalt  }
0x4f: {  	_ =	shalt  }
0x50: {  	_ =	shalt  }
0x51: {  	_ =	shalt  }
0x52: {  	_ =	shalt  }
0x53: {  	_ =	shalt  }
0x54: {  	_ =	shalt  }
0x55: {  	_ =	shalt  }
0x56: {  	_ =	shalt  }
0x57: {  	_ =	shalt  }
0x58: {  	_ =	shalt  }
0x59: {  	_ =	shalt  }
0x5a: {  	_ =	shalt  }
0x5b: {  	_ =	shalt  }
0x5c: {  	_ =	shalt  }
0x5d: {  	_ =	shalt  }
0x5e: {  	_ =	shalt  }
0x5f: {  	_ =	shalt  }
0x60: {  	_ =	shalt  }
0x61: {  	_ =	shalt  }
0x62: {  	_ =	shalt  }
0x63: {  	_ =	shalt  }
0x64: {  	_ =	shalt  }
0x65: {  	_ =	shalt  }
0x66: {  	_ =	shalt  }
0x67: {  	_ =	shalt  }
0x68: {  	_ =	shalt  }
0x69: {  	_ =	shalt  }
0x6a: {  	_ =	shalt  }
0x6b: {  	_ =	shalt  }
0x6c: {  	_ =	shalt  }
0x6d: {  	_ =	shalt  }
0x6e: {  	_ =	shalt  }
0x6f: {  	_ =	shalt  }
0x70: {  	_ =	shalt  }
0x71: {  	_ =	shalt  }
0x72: {  	_ =	shalt  }
0x73: {  	_ =	shalt  }
0x74: {  	_ =	shalt  }
0x75: {  	_ =	shalt  }
0x76: {  	_ =	shalt  }
0x77: {  	_ =	shalt  }
0x78: {  	_ =	shalt  }
0x79: {  	_ =	shalt  }
0x7a: {  	_ =	shalt  }
0x7b: {  	_ =	shalt  }
0x7c: {  	_ =	shalt  }
0x7d: {  	_ =	shalt  }
0x7e: {  	_ =	shalt  }
0x7f: {  	_ =	shalt  }
0x80: {  	_ =	shalt  }
0x81: {  	_ =	shalt  }
0x82: {  	_ =	shalt  }
0x83: {  	_ =	shalt  }
0x84: {  	_ =	shalt  }
0x85: {  	_ =	shalt  }
0x86: {  	_ =	shalt  }
0x87: {  	_ =	shalt  }
.Lfunc_end0:
.L_simem_size_0:
called_computation_lowered:
.L_overlay_start_0:
0x88: {  	s2 =	sld [smem:$0x3FD9]  }
0x89: {  	s3 =	sld [smem:$0x3FFE];
	_ =	sdelay $0x1  }
0x8a: {  	s1 =	srdreg.scid  }
0x8b: {  	s0 =	sand.u32 $0x1, s1  }
0x8c: {  	s17 =	sshll.u32 s0, $0xA;
	s2 =	sadd.s32 s3, s2  }
0x8d: {  	s2 =	sadd.s32 s2, s17  }
0x8e: {  	[smem:$0x3FBF] =	sst s2  }
0x8f: {  	_ = 	snop  }
0x90: {  	s2 =	sld [smem:$0x3FD0];
	(tm) =	ssettm $0x1  }
0x91: {  	s18 =	sld [smem:$0x3FFB];
	_ =	sdelay $0x3  }
0x92: {  	_ =	strace s18  }
0x93: {  	s3 =	sld [smem:$0x3FFC];
	_ =	sdelay $0x3  }
0x94: {  	_ =	strace s3  }
0x95: {  	s3 =	sld [smem:$0x3FFD];
	_ =	sdelay $0x3  }
0x96: {  	_ =	strace s3  }
0x97: {  	_ =	strace $0x8FFFFFFF  }
0x98: {  	s19 =	sld [smem:$0x3FDB];
	_ =	sdelay $0x1  }
0x99: {  	s4 =	simm.s32 $_scs_section_size  }
0x9a: {  	s5 =	simm.s32 $_size__tile_overlayer_lowered;
	s6 =	simm.s32 $_tile_overlayer_lowered  }
0x9b: {  	s22 =	simm.s32 $0x1BFF;
	s21 =	sshll.u32 s6, $0x1;
	s3 =	sadd.s32 s4, s19  }
0x9c: {  	s7 =	simm.s32 $0x0;
	s20 =	sshll.u32 s5, $0x1;
	s5 =	sadd.s32 s21, s3  }
0x9d: {  	[timem:s7], [sflag:s22] =	dma.local [hbm:s5], s20  }
0x9e: {  	_ =	swait.ge [sflag:s22], s20  }
0x9f: {  	s4 =	ssub.s32 $0x0, s20;
	[sflag:s22] =	ssyncset.done $0x0  }
0xa0: {  	[sflag:s22] =	ssyncadd.s32 s4;
	_ =	sdelay $0x1  }
0xa1: {  	s23 =	simm.s32 $0x1B8B  }
0xa2: {  	_ =	swait.ge [sflag:s23], $0x1  }
0xa3: {  	[sflag:s23] =	ssyncset.done $0x0  }
0xa4: {  	s25 =	simm.s32 $0x1B8E;
	s24 =	sld [smem:$0x3FFE];
	[sflag:s23] =	ssyncadd.s32 $0xFFFFFFFF  }
0xa5: {  	s26 =	simm.s32 $execute0_lowered;
	[smem:$0x3FD2] =	sst s25  }
0xa6: {  	s5 =	sshll.u32 s26, $0x1;
	_ =	strace $0x80000046;
	[dreg:$0x1] =	wrdreg $0xFFFFFFFF  }
0xa7: {  	s28 =	simm.s32 $_size_execute0_lowered;
	s3 =	sadd.s32 s3, s5;
	[dreg:$0x0] =	wrdreg $0x0  }
0xa8: {  	s5 =	sshll.u32 s28, $0x1;
	[dreg:$0x2] =	wrdreg s3  }
0xa9: {  	[dreg:$0x3] =	wrdreg s5  }
0xaa: {  	[dreg:$0x4] =	wrdreg $0xC0  }
0xab: {  	_ =	task [dreg:s7], $0x5FFFF  }
0xac: {  	[dreg:$0x1] =	wrdreg $0xFFFFFFFF  }
0xad: {  	[dreg:$0x0] =	wrdreg $0x60  }
0xae: {  	[dreg:$0x2] =	wrdreg s24  }
0xaf: {  	[dreg:$0x3] =	wrdreg s2  }
0xb0: {  	[dreg:$0x4] =	wrdreg $0x143000  }
0xb1: {  	[dreg:$0x5] =	wrdreg $0x9  }
0xb2: {  	_ =	task.clear_ibuf [dreg:s7], $0x6FFFF;
	_ =	strace $0x90000046  }
0xb3: {  	s29 =	simm.s32 $0x9;
	_ =	strace $0x80000048  }
0xb4: {  	_ =	swait.ge [sflag:s29], $0x1  }
0xb5: {  	[sflag:s29] =	ssyncadd.s32 $0xFFFFFFFF  }
0xb6: {  	_ =	strace $0x90000048  }
0xb7: {  	_ =	sfence  }
0xb8: {  	s30 =	sld [smem:$0x0];
	_ =	sdelay $0x2  }
0xb9: {  	s31 =	sshll.u32 s1, $0xD;
	s1 =	sshrl.u32 s1, $0x2  }
0xba: {  	s3 =	sand.u32 $0x4000, s31;
	s1 =	sadd.s32 s1, s30  }
0xbb: {  	s0 =	sor.u32 s3, s0;
	s1 =	sshll.u32 s1, $0x11  }
0xbc: {  	s0 =	sor.u32 s1, s0  }
0xbd: {  	s0 =	sadd.s32 $0x8F2B, s0  }
0xbe: {  	[sflag:s0] =	ssyncadd.remote.s32 $0x1  }
0xbf: {  	_ =	sfence.sel $0xFFFF  }
0xc0: {  	[dreg:$0x0] =	wrdreg $0xFFFFFFFF;
	(pc) =	sbr.abs _section_cstart, $3  }
0xc1: {  	[dreg:$0x1] =	wrdreg $0xFFFFFFFF  }
0xc2: {  	_ =	task.clear_ibuf [dreg:s7], $0x2FFFF;
	_ =	strace $0x9FFFFFFF  }
0xc3: {  	(tm) =	ssettm $0x7FFFFFFF  }
tec
execute0_lowered:
.L_overlay_start_1:
0x0: {  	(tag) =	ssettag $0x1  }
0x1: {  	s0 =	rddreg [dreg:$0x0]  }
0x2: {  	s3 =	rddreg [dreg:$0x1];
	s2 =	simm.s32 $0x0  }
0x3: {  	[smem:$0x7FF] =	sst s2  }
0x4: {  	s1 =	rddreg [dreg:$0x2];
	v0 =	vimm.f32 $1.000000000e+00;
	s4 =	srdreg.scid;
	_ =	strace $0x80000047  }
0x5: {  	s13 =	stileid.u32;
	s10 =	simm.s32 $0x1;
	s16 =	simm.s32 $0x4;
	(xrf0) =	vmax.scan.msk.f32 $0xffff, v0  }
0x6: {  	s28 =	simm.s32 $0x13300;
	s29 =	simm.s32 $0x2;
	s30 =	simm.s32 $0x0  }
0x7: {  	s5 =	sand.u32 $0x1, s4;
	s6 =	sshll.u32 s13, $0x8;
	s7 =	sshll.u32 s13, $0xC  }
0x8: {  	s8 =	sand.u32 $0x7, s13;
	s18 =	sshll.u32 s13, $0xF;
	s19 =	sshll.u32 s13, $0x6  }
0x9: {  	s26 =	sshll.u32 s13, $0xA;
	s4 =	sshll.u32 s5, $0xC;
	s9 =	sshll.u32 s5, $0xE  }
0xa: {  	p1 =	sne.s32 s8, $0x0;
	s7 =	sadd.s32 s7, s0;
	s17 =	ssub.s32 $0x2, s5  }
0xb: {  	s5 =	sshll.u32 s5, $0x10;
	s14 =	sadd.s32 s18, s1;
	s20 =	sor.u32 $0x1C03, s19;
	v0, _, _ =	vpop (xrf0)  }
0xc: {  	s18 =	simm.s32 $0x4000;
	s19 =	simm.s32 $0x6000;
	s4 =	sor.u32 s6, s4;
	(v2sf) =	vpush v0, $0xF  }
0xd: {  	s11 =	sshrl.u32 s17, $0x1;
	s5 =	sadd.s32 s5, s7;
	[dreg:$0x5] =	wrdreg s20  }
0xe: {  	s15 =	sshrl.u32 s14, $0x3;
	s20 =	simm.s32 $0x6100;
	p0 =	seq.s32 s4, $0x0  }
0xf: {  	s6 =	sshrl.u32 s4, $0x3;
	s12 =	sshrl.u32 s4, $0xB;
	p0 =	por !p1, !p0  }
0x10: {  	s8 =	ssub.s32 s17, s11;
	s4 =	simm.s32 $0x1;
	p0 =	por !p0, !p0  }
0x11: {  	s5 =	sadd.s32 $0x1E00, s5;
	s17 =	simm.s32 $0x2000;
	s10 =	simm.s32 @!p0 $0x0  }
0x12: {  	s6 =	sadd.s32 s6, s0;
	s0 =	sadd.s32 s9, s0;
	s10 =	ssub.s32 s12, s10  }
0x13: {  	[dreg:$0x4] =	wrdreg s5;
	s12 =	smul.u32 $0x6000, s10;
	s10 =	sshll.u32 s10, $0xD;
	v0 =	vlaneseq.u32  }
0x14: {  	s13 =	smax.u32 s8, $0x1;
	s25 =	sadd.s32 $0x21E00, s6;
	s24 =	ssub.s32 s10, s9;
	v1 =	vmul.u32 $0x100, v0;
	v2 =	vmul.u32 $0x20, v0  }
0x15: {  	v4 =	vimm.s32 $0x0;
	v5 =	vimm.f32 $0.0e+00;
	s11 =	sadd.s32 $0x22200, s6;
	s0 =	sadd.s32 s26, s0;
	s26 =	simm.s32 $0x12300;
	v3 =	vmov s24  }
0x16: {  	[dreg:$0x9] =	wrdreg s25;
	s0 =	sadd.s32 $0x22A00, s0;
	s25 =	simm.s32 $0x80;
	v6 =	vor.u32 $0x10, v0;
	v7 =	vor.u32 $0x1000, v1;
	v8 =	vor.u32 $0x10, v2  }
0x17: {  	s21 =	sshrl.u32 s12, $0x3;
	s22 =	sadd.s32 $0x2000, s12;
	s23 =	sadd.s32 $0x4000, s12;
	v9 =	vor.u32 $0x11, v2;
	v10 =	vor.u32 $0x12, v2;
	v11 =	vor.u32 $0x210, v2  }
0x18: {  	s12 =	sadd.s32 $0x22600, s6;
	s24 =	simm.s32 $0x3;
	s5 =	sadd.s32 s3, s21;
	v12 =	vor.u32 $0x211, v2;
	v13 =	vor.u32 $0x212, v2;
	v14 =	vor.u32 $0x410, v2  }
0x19: {  	s7 =	sshrl.u32 s23, $0x3;
	[dreg:$0x6] =	wrdreg s5;
	s5 =	sshrl.u32 s22, $0x3;
	v15 =	vor.u32 $0x411, v2;
	v16 =	vor.u32 $0x412, v2;
	v17 =	vor.u32 $0x610, v2  }
0x1a: {  	s21 =	simm.s32 $0x6200;
	s23 =	simm.s32 $0x10300;
	v18 =	vor.u32 $0x611, v2;
	v19 =	vor.u32 $0x612, v2;
	v20 =	vor.u32 $0x810, v2;
	s5 =	sadd.s32 s3, s5  }
0x1b: {  	v21 =	vor.u32 $0x811, v2;
	v22 =	vor.u32 $0x812, v2;
	v23 =	vor.u32 $0xA10, v2;
	s3 =	sadd.s32 s3, s7;
	[dreg:$0x7] =	wrdreg s5;
	s31 =	spop (v2sf)  }
0x1c: {  	s22 =	simm.s32 $0xE300;
	v24 =	vor.u32 $0xA11, v2;
	v25 =	vor.u32 $0xA12, v2;
	v26 =	vor.u32 $0xC10, v2;
	[dreg:$0x8] =	wrdreg s3;
	p0 =	sgt.f32 s31, $0.0e+00  }
.LBB2_1:
0x1d: {  	s3 =	rddreg [dreg:$0x4]  }
0x1e: {  	s5 =	rddreg [dreg:$0x5]  }
0x1f: {  	[spmem:s15], [sflag:s5] =	dma.local [hbm:s3], $0x1000  }
0x20: {  	s3 =	rddreg [dreg:$0x6]  }
0x21: {  	[tilespmem:s2], [sflag:$0x4] =	stream.linear.gather [hbm4b:s3+s2], $0x2000, $0x38;
	[tilespmem:$0x1C300] =	vst v63  }
0x22: {  	_ =	swait.ge [sflag:s16], $0x2000  }
0x23: {  	[sflag:s16] =	ssyncset.done $0x0  }
0x24: {  	s10 =	rddreg [dreg:$0x7];
	[sflag:s16] =	ssyncadd.s32 $0xFFFFE000  }
0x25: {  	[tilespmem:s17], [sflag:$0x4] =	stream.linear.gather [hbm4b:s10+s2], $0x2000, $0x38;
	[tilespmem:$0x1C300] =	vst v63  }
0x26: {  	_ =	swait.ge [sflag:s16], $0x2000  }
0x27: {  	[sflag:s16] =	ssyncset.done $0x0  }
0x28: {  	s14 =	rddreg [dreg:$0x8];
	[sflag:s16] =	ssyncadd.s32 $0xFFFFE000  }
0x29: {  	[tilespmem:s18], [sflag:$0x4] =	stream.linear.gather [hbm4b:s14+s2], $0x2000, $0x38;
	[tilespmem:$0x1C300] =	vst v63  }
0x2a: {  	_ =	swait.ge [sflag:s16], $0x2000  }
0x2b: {  	[sflag:s16] =	ssyncset.done $0x0  }
0x2c: {  	s31 =	rddreg [dreg:$0x9];
	[sflag:s16] =	ssyncadd.s32 $0xFFFFE000  }
0x2d: {  	[tilespmem:s19], [sflag:$0x4] =	stream.linear.gather [hbm4b:s31+s2], $0x100, $0x38;
	[tilespmem:$0x1C300] =	vst v63  }
0x2e: {  	_ =	swait.ge [sflag:s16], $0x100  }
0x2f: {  	[sflag:s16] =	ssyncset.done $0x0  }
0x30: {  	[sflag:s16] =	ssyncadd.s32 $0xFFFFFF00  }
0x31: {  	[tilespmem:s20], [sflag:$0x4] =	stream.linear.gather [hbm4b:s11+s2], $0x100, $0x38;
	[tilespmem:$0x1C300] =	vst v63  }
0x32: {  	_ =	swait.ge [sflag:s16], $0x100  }
0x33: {  	[sflag:s16] =	ssyncset.done $0x0  }
0x34: {  	[sflag:s16] =	ssyncadd.s32 $0xFFFFFF00  }
0x35: {  	[tilespmem:s21], [sflag:$0x4] =	stream.linear.gather [hbm4b:s12+s2], $0x100, $0x38;
	[tilespmem:$0x1C300] =	vst v63  }
0x36: {  	_ =	swait.ge [sflag:s16], $0x100  }
0x37: {  	[sflag:s16] =	ssyncset.done $0x0  }
0x38: {  	s5 =	simm.s32 $0x0;
	[sflag:s16] =	ssyncadd.s32 $0xFFFFFF00  }
0x39: {  	v27 =	vld [tilespmem:s5+$0x0]  }
0x3a: {  	v28 =	vld [tilespmem:s5+$0x2000]  }
0x3b: {  	v31 =	vld [tilespmem:s5+$0x4000];
	_ =	sdelay $0x3  }
0x3c: {  	s3 =	simm.s32 $0x10;
	v30 =	vmul.f32 v27, v27;
	v32 =	vmul.f32 v28, v28  }
0x3d: {  	v29 =	vld [tilespmem:s3+$0x0];
	v33 =	vshrl.u32 v27, $0x10;
	v34 =	vshrl.u32 v28, $0x10;
	v35 =	vmul.f32 v31, v31  }
0x3e: {  	v36 =	vshrl.u32 v31, $0x10;
	v33 =	vand.u32 $0x1, v33;
	v32 =	vadd.f32 v32, v30;
	v30 =	vld [tilespmem:s3+$0x2000]  }
0x3f: {  	v34 =	vand.u32 $0x1, v34;
	v60 =	vand.u32 $0x1, v36;
	v27 =	vadd.s32 v33, v27  }
0x40: {  	v59 =	vadd.s32 v34, v28;
	v28 =	vld [tilespmem:s3+$0x4000];
	v31 =	vadd.s32 v60, v31;
	v27 =	vadd.s32 $0x7FFF, v27  }
0x41: {  	v33 =	vadd.s32 $0x7FFF, v59;
	v32 =	vadd.f32 v35, v32;
	v27 =	vand.u32 $0xFFFF0000, v27  }
0x42: {  	v61 =	vshrl.u32 v29, $0x10;
	v31 =	vadd.s32 $0x7FFF, v31;
	v62 =	vand.u32 $0xFFFF0000, v33;
	[tilespmem:s5+$0x6300] =	vst v27  }
0x43: {  	s6 =	simm.s32 $0x20;
	[tilespmem:s5+$0xC300] =	vst v32;
	v32 =	vmul.f32 v29, v29;
	v63 =	vshrl.u32 v30, $0x10;
	v34 =	vmul.f32 v30, v30  }
0x44: {  	s7 =	simm.s32 $0xC0;
	v31 =	vand.u32 $0xFFFF0000, v31;
	v35 =	vand.u32 $0x1, v61;
	v27 =	vld [tilespmem:s6+$0x0];
	[tilespmem:s5+$0x8300] =	vst v62;
	v33 =	vand.u32 $0x1, v63  }
.LBB2_2:
0x45: {  	p1 =	sne.s32 s7, $0x7FC0;
	v36 =	vld [tilespmem:s6+$0x2000];
	v37 =	vshrl.u32 v28, $0x10;
	v32 =	vadd.f32 v34, v32;
	v34 =	vmul.f32 v28, v28;
	[tilespmem:s5+$0xA300] =	vst v31;
	s5 =	smov.u32 s3;
	s3 =	smov.u32 s6  }
0x46: {  	v29 =	vadd.s32 v35, v29;
	v30 =	vadd.s32 v33, v30;
	v31 =	vand.u32 $0x1, v37  }
.Ltmp0:
0x47: {  	v38 =	vadd.s32 $0x7FFF, v29;
	v31 =	vadd.s32 v31, v28;
	v28 =	vld [tilespmem:s3+$0x4000];
	v32 =	vadd.f32 v34, v32;
	(pc) =	sbr.rel @p1 .LBB2_2-.Ltmp0, $4  }
0x48: {  	v33 =	vand.u32 $0xFFFF0000, v38;
	v34 =	vadd.s32 $0x7FFF, v30;
	v39 =	vadd.s32 $0x7FFF, v31  }
0x49: {  	v37 =	vand.u32 $0xFFFF0000, v34;
	v35 =	vshrl.u32 v27, $0x10;
	v31 =	vand.u32 $0xFFFF0000, v39;
	[tilespmem:s5+$0xC300] =	vst v32;
	v29 =	vmovc v27  }
0x4a: {  	s6 =	sshra.s32 s7, $0x2;
	v38 =	vshrl.u32 v36, $0x10;
	v32 =	vmul.f32 v27, v29;
	v34 =	vmul.f32 v36, v36;
	[tilespmem:s5+$0x6300] =	vst v33;
	v30 =	vmovc v36  }
0x4b: {  	s7 =	sadd.s32 $0x40, s7;
	v35 =	vand.u32 $0x1, v35;
	v27 =	vld [tilespmem:s6+$0x0];
	v33 =	vand.u32 $0x1, v38;
	[tilespmem:s5+$0x8300] =	vst v37  }
0x4c: {  	v36 =	vld [tilespmem:s6+$0x2000];
	v37 =	vshrl.u32 v28, $0x10;
	[tilespmem:s5+$0xA300] =	vst v31;
	v49 =	vadd.f32 v34, v32  }
0x4d: {  	v50 =	vmul.f32 v28, v28;
	v29 =	vadd.s32 v35, v29;
	v30 =	vadd.s32 v33, v30;
	v51 =	vld [tilespmem:s6+$0x4000]  }
0x4e: {  	v52 =	vand.u32 $0x1, v37;
	v29 =	vadd.s32 $0x7FFF, v29;
	v30 =	vadd.s32 $0x7FFF, v30  }
0x4f: {  	v53 =	vadd.s32 v52, v28;
	v31 =	vadd.f32 v50, v49;
	v29 =	vand.u32 $0xFFFF0000, v29  }
0x50: {  	v30 =	vand.u32 $0xFFFF0000, v30;
	v28 =	vadd.s32 $0x7FFF, v53;
	v54 =	vmul.f32 v27, v27  }
0x51: {  	v56 =	vshrl.u32 v27, $0x10;
	v28 =	vand.u32 $0xFFFF0000, v28;
	v55 =	vmul.f32 v36, v36  }
0x52: {  	[tilespmem:s3+$0x6300] =	vst v29;
	v57 =	vshrl.u32 v36, $0x10;
	v59 =	vand.u32 $0x1, v56;
	v58 =	vmul.f32 v51, v51  }
0x53: {  	[tilespmem:s3+$0xC300] =	vst v31;
	v31 =	vand.u32 $0x1, v57;
	v60 =	vshrl.u32 v51, $0x10;
	v27 =	vadd.s32 v59, v27  }
0x54: {  	[tilespmem:s3+$0x8300] =	vst v30;
	v32 =	vadd.f32 v55, v54;
	v62 =	vadd.s32 v31, v36;
	v27 =	vadd.s32 $0x7FFF, v27  }
.Ltmp1:
0x55: {  	[tilespmem:s3+$0xA300] =	vst v28;
	v30 =	vand.u32 $0x1, v60;
	v27 =	vand.u32 $0xFFFF0000, v27;
	v28 =	vadd.s32 $0x7FFF, v62;
	(pc) =	sbr.rel .LBB2_4-.Ltmp1, $4  }
0x56: {  	v30 =	vadd.s32 v30, v51;
	v61 =	vadd.f32 v58, v32;
	v28 =	vand.u32 $0xFFFF0000, v28;
	[tilespmem:s6+$0x6300] =	vst v27  }
0x57: {  	v63 =	vadd.s32 $0x7FFF, v30;
	[tilespmem:s6+$0x8300] =	vst v28  }
0x58: {  	v27 =	vand.u32 $0xFFFF0000, v63;
	[tilespmem:s6+$0xC300] =	vst v61  }
0x59: {  	s3 =	simm.s32 $0x0;
	[tilespmem:s6+$0xA300] =	vst v27  }
.LBB2_7:
0x5a: {  	v29 =	vpsel p1, v34, v34  }
.LBB2_8:
0x5b: {  	_ =	sdelay $0x3  }
0x5c: {  	v28 =	vld.idx.msk [tilespmem:v28+s22+$0x0], $0xffff  }
0x5d: {  	v30 =	vld [tilespmem:s14+$0xE300];
	_ =	sdelay $0x1  }
0x5e: {  	v31 =	vor.u32 v1, v27  }
0x5f: {  	vm0 =	vgt.s32 v29, $0x0  }
0x60: {  	vm14 =	vgt.s32 v29, v0;
	v28 =	vnsel vm0, $0x0, v28  }
0x61: {  	v30 =	vsel vm14, v30, v28  }
0x62: {  	[tilespmem:s14+$0xE300] =	vst v30;
	v30 =	vadd.s32 v3, v30  }
0x63: {  	[tilespmem:v31+s23+$0x0] =	vst.idx.msk $0xffff, v30  }
0x64: {  	v30 =	vld [tilespmem:s14+$0xE310]  }
0x65: {  	s3 =	sadd.s32 $0x1, s3  }
0x66: {  	v27 =	vor.u32 v7, v27;
	p1 =	sne.s32 s3, $0x100  }
.Ltmp2:
0x67: {  	_ = 	snop;
	(pc) =	sbr.rel @!p1 .LBB2_9-.Ltmp2, $4  }
0x68: {  	vm15 =	vgt.s32 v29, v6  }
0x69: {  	v28 =	vsel vm15, v30, v28  }
0x6a: {  	[tilespmem:s14+$0xE310] =	vst v28;
	v28 =	vadd.s32 v3, v28  }
0x6b: {  	[tilespmem:v27+s23+$0x0] =	vst.idx.msk $0xffff, v28  }
.LBB2_4:
.Ltmp3:
0x6c: {  	(pc) =	sbr.rel @!p0 .LBB2_8-.Ltmp3, $3  }
0x6d: {  	_ =	sdelay $0x1  }
0x6e: {  	s14 =	sshll.u32 s3, $0x5  }
0x6f: {  	v27 =	vmov s3;
	v29 =	vimm.s32 $0x0;
	v28 =	vmov s14  }
0x70: {  	_ =	sdelay $0x3  }
0x71: {  	v29 =	vld.idx.msk [tilespmem:v27+s19+$0x0], $0xffff  }
0x72: {  	v30 =	vld.idx.msk [tilespmem:v27+s20+$0x0], $0xffff  }
0x73: {  	v31 =	vld.idx.msk [tilespmem:v27+s21+$0x0], $0xffff;
	_ =	sdelay $0x3  }
0x74: {  	v32 =	vshrl.u32 v29, $0x10  }
0x75: {  	v33 =	vshrl.u32 v30, $0x10;
	v34 =	vshrl.u32 v31, $0x10;
	v32 =	vand.u32 $0x1, v32  }
0x76: {  	v33 =	vand.u32 $0x1, v33;
	v34 =	vand.u32 $0x1, v34;
	v32 =	vadd.s32 v32, v29  }
0x77: {  	v33 =	vadd.s32 v33, v30;
	v29 =	vmul.f32 v29, v29;
	v30 =	vmul.f32 v30, v30  }
0x78: {  	v36 =	vmul.f32 v31, v31;
	v34 =	vadd.s32 v34, v31;
	v32 =	vadd.s32 $0x7FFF, v32  }
0x79: {  	v33 =	vadd.s32 $0x7FFF, v33;
	v34 =	vadd.s32 $0x7FFF, v34;
	v35 =	vadd.f32 v30, v29  }
0x7a: {  	s9 =	simm.s32 $0x0;
	s31 =	simm.s32 $0xC320;
	s5 =	simm.s32 $0x6320;
	v29 =	vand.u32 $0xFFFF0000, v32;
	v30 =	vand.u32 $0xFFFF0000, v33;
	v31 =	vand.u32 $0xFFFF0000, v34  }
0x7b: {  	s6 =	simm.s32 $0x8320;
	s7 =	simm.s32 $0xA320;
	s8 =	simm.s32 $0x0;
	v33 =	vadd.s32 $0xFFFFFFFF, v28;
	v34 =	vimm.s32 $0x0;
	v32 =	vadd.f32 v36, v35  }
.LBB2_6:
0x7c: {  	v35 =	vld [tilespmem:s5+$0xFFFFFFE0]  }
0x7d: {  	v36 =	vld [tilespmem:s6+$0xFFFFFFE0];
	_ =	sdelay $0x1  }
0x7e: {  	v37 =	vld [tilespmem:s7+$0xFFFFFFE0];
	_ =	sdelay $0x2  }
0x7f: {  	v35 =	vmul.f32 v29, v35;
	v36 =	vmul.f32 v30, v36  }
0x80: {  	v38 =	vld [tilespmem:s31+$0xFFFFFFE0]  }
0x81: {  	v53 =	vmul.f32 v31, v37;
	v35 =	vadd.f32 v36, v35;
	_ =	sdelay $0x1  }
0x82: {  	v35 =	vadd.f32 v53, v35;
	_ =	sdelay $0x1  }
0x83: {  	v54 =	vadd.f32 v38, v32;
	v35 =	vadd.f32 v35, v35;
	_ =	sdelay $0x1  }
0x84: {  	v35 =	vsub.f32 v54, v35;
	_ =	sdelay $0x1  }
0x85: {  	vm0 =	vlt.f32 v35, $3.999999910e-02  }
0x86: {  	v35 =	vsel vm0, $0x1, v4  }
0x87: {  	(xrf0) =	vadd.scan.msk.s32 $0xffff, v35;
	_ =	sdelay $0x5  }
0x88: {  	v35, _, _ =	vpop (xrf0)  }
0x89: {  	v55 =	vadd.s32 v34, v35  }
0x8a: {  	vm1 =	vlt.s32 v55, $0x21  }
0x8b: {  	v56 =	vadd.s32 v34, v33;
	vm1 =	vmand vm0, vm1  }
0x8c: {  	v35 =	vadd.s32 v35, v56;
	_ =	sdelay $0x3  }
0x8d: {  	v57 =	vor.u32 s8, v0  }
0x8e: {  	[tilespmem:v35+s22+$0x0] =	vst.idx.msk vm1, v57  }
0x8f: {  	v35 =	vld [tilespmem:s5+$0xFFFFFFF0]  }
0x90: {  	v36 =	vld [tilespmem:s6+$0xFFFFFFF0];
	_ =	sdelay $0x1  }
0x91: {  	v58 =	vld [tilespmem:s7+$0xFFFFFFF0];
	_ =	sdelay $0x2  }
0x92: {  	v35 =	vmul.f32 v29, v35;
	v36 =	vmul.f32 v30, v36  }
0x93: {  	v59 =	vld [tilespmem:s31+$0xFFFFFFF0]  }
0x94: {  	v60 =	vmul.f32 v31, v58;
	v35 =	vadd.f32 v36, v35;
	_ =	sdelay $0x1  }
0x95: {  	v35 =	vadd.f32 v60, v35;
	_ =	sdelay $0x1  }
0x96: {  	v61 =	vadd.f32 v59, v32;
	v35 =	vadd.f32 v35, v35;
	_ =	sdelay $0x1  }
0x97: {  	v35 =	vsub.f32 v61, v35;
	_ =	sdelay $0x1  }
0x98: {  	vm10 =	vlt.f32 v35, $3.999999910e-02  }
0x99: {  	v35 =	vsel vm10, $0x1, v4  }
0x9a: {  	(xrf0) =	vadd.scan.msk.s32 $0xffff, v35;
	_ =	sdelay $0x3  }
0x9b: {  	v62 =	vmpcnt.ones.xlane vm0;
	_ =	sdelay $0x1  }
0x9c: {  	v63 =	vadd.s32 v34, v62;
	v40, _, _ =	vpop (xrf0)  }
0x9d: {  	v41 =	vadd.s32 v63, v40  }
0x9e: {  	vm11 =	vlt.s32 v41, $0x21  }
0x9f: {  	v42 =	vadd.s32 v63, v33;
	vm0 =	vmand vm10, vm11  }
0xa0: {  	v35 =	vadd.s32 v40, v42;
	_ =	sdelay $0x2  }
0xa1: {  	s10 =	sadd.s32 $0x10, s8  }
0xa2: {  	v43 =	vor.u32 s10, v0  }
0xa3: {  	[tilespmem:v35+s22+$0x0] =	vst.idx.msk vm0, v43  }
0xa4: {  	v35 =	vld [tilespmem:s5+$0x0]  }
0xa5: {  	v36 =	vld [tilespmem:s6+$0x0];
	_ =	sdelay $0x1  }
0xa6: {  	v44 =	vld [tilespmem:s7+$0x0];
	_ =	sdelay $0x2  }
0xa7: {  	v35 =	vmul.f32 v29, v35;
	v36 =	vmul.f32 v30, v36  }
0xa8: {  	v45 =	vld [tilespmem:s31+$0x0]  }
0xa9: {  	v46 =	vmul.f32 v31, v44;
	v35 =	vadd.f32 v36, v35;
	_ =	sdelay $0x1  }
0xaa: {  	v35 =	vadd.f32 v46, v35;
	_ =	sdelay $0x1  }
0xab: {  	v47 =	vadd.f32 v45, v32;
	v35 =	vadd.f32 v35, v35;
	_ =	sdelay $0x1  }
0xac: {  	v35 =	vsub.f32 v47, v35;
	_ =	sdelay $0x1  }
0xad: {  	vm12 =	vlt.f32 v35, $3.999999910e-02  }
0xae: {  	v35 =	vsel vm12, $0x1, v4  }
0xaf: {  	(xrf0) =	vadd.scan.msk.s32 $0xffff, v35;
	_ =	sdelay $0x3  }
0xb0: {  	v48 =	vmpcnt.ones.xlane vm10;
	_ =	sdelay $0x1  }
0xb1: {  	v34 =	vadd.s32 v63, v48;
	v49, _, _ =	vpop (xrf0)  }
0xb2: {  	v50 =	vadd.s32 v34, v49  }
0xb3: {  	vm13 =	vlt.s32 v50, $0x21  }
0xb4: {  	v51 =	vadd.s32 v34, v33;
	vm1 =	vmand vm12, vm13  }
0xb5: {  	v35 =	vadd.s32 v49, v51;
	_ =	sdelay $0x2  }
0xb6: {  	s10 =	sadd.s32 $0x20, s8  }
0xb7: {  	v52 =	vor.u32 s10, v0  }
0xb8: {  	[tilespmem:v35+s22+$0x0] =	vst.idx.msk vm1, v52  }
0xb9: {  	v35 =	vld [tilespmem:s5+$0x10]  }
0xba: {  	v36 =	vld [tilespmem:s6+$0x10];
	_ =	sdelay $0x1  }
0xbb: {  	v53 =	vld [tilespmem:s7+$0x10];
	_ =	sdelay $0x2  }
0xbc: {  	v35 =	vmul.f32 v29, v35;
	v36 =	vmul.f32 v30, v36  }
0xbd: {  	v54 =	vld [tilespmem:s31+$0x10]  }
0xbe: {  	v55 =	vmul.f32 v31, v53;
	v35 =	vadd.f32 v36, v35;
	_ =	sdelay $0x1  }
0xbf: {  	v35 =	vadd.f32 v55, v35;
	_ =	sdelay $0x1  }
0xc0: {  	v56 =	vadd.f32 v54, v32;
	v35 =	vadd.f32 v35, v35;
	_ =	sdelay $0x1  }
0xc1: {  	v35 =	vsub.f32 v56, v35;
	_ =	sdelay $0x1  }
0xc2: {  	v57 =	vmpcnt.ones.xlane vm12;
	vm14 =	vlt.f32 v35, $3.999999910e-02  }
0xc3: {  	v35 =	vmpcnt.ones.xlane vm14  }
0xc4: {  	v34 =	vadd.s32 v34, v57  }
0xc5: {  	v35 =	vadd.s32 v34, v35  }
0xc6: {  	v58 =	vsel vm14, $0x1, v4;
	vm15 =	vlt.s32 v35, $0x20  }
0xc7: {  	(xrf0) =	vadd.scan.msk.s32 $0xffff, v58;
	v59 =	vsel vm15, $0x3F800000, v5  }
0xc8: {  	(xrf0) =	vmax.scan.msk.f32 $0xffff, v59;
	_ =	sdelay $0x4  }
0xc9: {  	v60, _, _ =	vpop (xrf0)  }
0xca: {  	v61, _, _ =	vpop (xrf0)  }
0xcb: {  	(v2sf) =	vpush v61, $0xF;
	_ =	sdelay $0xe  }
0xcc: {  	p1 =	sgt.u32 s9, $0x7E;
	v62 =	vadd.s32 v34, v60;
	s10 =	spop (v2sf)  }
0xcd: {  	vm2 =	vlt.s32 v62, $0x21;
	p2 =	sgt.f32 @!p1 s10, $0.0e+00  }
0xce: {  	v34 =	vadd.s32 v34, v33;
	vm0 =	vmand vm14, vm2  }
0xcf: {  	v34 =	vadd.s32 v60, v34;
	p2 =	por p1, !p2  }
.Ltmp4:
0xd0: {  	_ = 	snop;
	(pc) =	sbr.rel @!p2 .LBB2_6-.Ltmp4, $4  }
0xd1: {  	_ = 	snop  }
0xd2: {  	s10 =	sadd.s32 $0x30, s8  }
0xd3: {  	s9 =	sadd.s32 $0x1, s9;
	s31 =	sadd.s32 $0x40, s31;
	s5 =	sadd.s32 $0x40, s5;
	v63 =	vor.u32 s10, v0  }
0xd4: {  	s6 =	sadd.s32 $0x40, s6;
	s7 =	sadd.s32 $0x40, s7;
	s8 =	sadd.s32 $0x40, s8;
	[tilespmem:v34+s22+$0x0] =	vst.idx.msk vm0, v63;
	v34 =	vnsel vm15, $0x20, v35  }
.Ltmp5:
0xd5: {  	_ = 	snop;
	(pc) =	sbr.rel .LBB2_7-.Ltmp5, $1  }
0xd6: {  	_ =	sdelay $0x3  }
.LBB2_9:
0xd7: {  	_ =	swait.ge [sflag:s24], $0x1000  }
0xd8: {  	[sflag:s24] =	ssyncset.done $0x0  }
0xd9: {  	[sflag:s24] =	ssyncadd.s32 $0xFFFFF000  }
0xda: {  	s31 =	simm.s32 $0x0;
	s14 =	smov.u32 s0;
	[bflag:$0x0] =	sbarrier.arrive $0xFFFF  }
0xdb: {  	[tilespmem:s26], [sflag:$0x1] =	stream.indirect.gather [spmem:s1], $0x20, s23, s25, $0xb8;
	[tilespmem:$0x1C300] =	vst v63  }
.LBB2_10:
0xdc: {  	s3 =	sshra.s32 s31, $0x2  }
0xdd: {  	s5 =	sadd.s32 $0x10380, s3  }
0xde: {  	[tilespmem:s28], [sflag:$0x2] =	stream.indirect.gather [spmem:s1], $0x20, s5, s25, $0xb8;
	[tilespmem:$0x1C300] =	vst v63  }
0xdf: {  	_ =	swait.ge [sflag:s4], $0x1000  }
0xe0: {  	[sflag:s4] =	ssyncset.done $0x0  }
0xe1: {  	[sflag:s4] =	ssyncadd.s32 $0xFFFFF000  }
0xe2: {  	v27 =	vld [tilespmem:s3+$0x10300];
	_ =	sdelay $0x4  }
0xe3: {  	v28 =	vsub.s32 v27, v3  }
0xe4: {  	v27 =	vand.u32 $0x7, v27;
	v28 =	vand.u32 $0xFFFFFFF8, v28  }
0xe5: {  	v27 =	vor.u32 v27, v28;
	_ =	sdelay $0x1  }
0xe6: {  	v29 =	vld [tilespmem:$0x6000]  }
0xe7: {  	v31 =	vld [tilespmem:$0x6100]  }
0xe8: {  	v32 =	vld [tilespmem:$0x6200]  }
0xe9: {  	v28 =	vld.idx.msk [tilespmem:v27+s2+$0x0], $0xffff  }
0xea: {  	v30 =	vld.idx.msk [tilespmem:v27+s17+$0x0], $0xffff  }
0xeb: {  	v27 =	vld.idx.msk [tilespmem:v27+s18+$0x0], $0xffff;
	_ =	sdelay $0x2  }
0xec: {  	v28 =	vsub.f32 v28, v29  }
0xed: {  	v39 =	vsub.f32 v30, v31  }
0xee: {  	v27 =	vsub.f32 v27, v32;
	[tilespmem:v8+s26+$0x0] =	vst.idx.msk $0xffff, v28  }
0xef: {  	[tilespmem:v9+s26+$0x0] =	vst.idx.msk $0xffff, v39  }
0xf0: {  	[tilespmem:v10+s26+$0x0] =	vst.idx.msk $0xffff, v27  }
0xf1: {  	v27 =	vld [tilespmem:s3+$0x10310];
	_ =	sdelay $0x4  }
0xf2: {  	v40 =	vsub.s32 v27, v3  }
0xf3: {  	v27 =	vand.u32 $0x7, v27;
	v28 =	vand.u32 $0xFFFFFFF8, v40  }
0xf4: {  	v27 =	vor.u32 v27, v28;
	_ =	sdelay $0x1  }
0xf5: {  	v29 =	vld [tilespmem:$0x6010]  }
0xf6: {  	v42 =	vld [tilespmem:$0x6110]  }
0xf7: {  	v43 =	vld [tilespmem:$0x6210]  }
0xf8: {  	v28 =	vld.idx.msk [tilespmem:v27+s2+$0x0], $0xffff  }
0xf9: {  	v41 =	vld.idx.msk [tilespmem:v27+s17+$0x0], $0xffff  }
0xfa: {  	v27 =	vld.idx.msk [tilespmem:v27+s18+$0x0], $0xffff;
	_ =	sdelay $0x2  }
0xfb: {  	v28 =	vsub.f32 v28, v29  }
0xfc: {  	v44 =	vsub.f32 v41, v42  }
0xfd: {  	v27 =	vsub.f32 v27, v43;
	[tilespmem:v11+s26+$0x0] =	vst.idx.msk $0xffff, v28  }
0xfe: {  	[tilespmem:v12+s26+$0x0] =	vst.idx.msk $0xffff, v44  }
0xff: {  	[tilespmem:v13+s26+$0x0] =	vst.idx.msk $0xffff, v27  }
0x100: {  	v27 =	vld [tilespmem:s3+$0x10320];
	_ =	sdelay $0x4  }
0x101: {  	v45 =	vsub.s32 v27, v3  }
0x102: {  	v27 =	vand.u32 $0x7, v27;
	v28 =	vand.u32 $0xFFFFFFF8, v45  }
0x103: {  	v27 =	vor.u32 v27, v28;
	_ =	sdelay $0x1  }
0x104: {  	v29 =	vld [tilespmem:$0x6020]  }
0x105: {  	v47 =	vld [tilespmem:$0x6120]  }
0x106: {  	v48 =	vld [tilespmem:$0x6220]  }
0x107: {  	v28 =	vld.idx.msk [tilespmem:v27+s2+$0x0], $0xffff  }
0x108: {  	v46 =	vld.idx.msk [tilespmem:v27+s17+$0x0], $0xffff  }
0x109: {  	v27 =	vld.idx.msk [tilespmem:v27+s18+$0x0], $0xffff;
	_ =	sdelay $0x2  }
0x10a: {  	v28 =	vsub.f32 v28, v29  }
0x10b: {  	v49 =	vsub.f32 v46, v47  }
0x10c: {  	v27 =	vsub.f32 v27, v48;
	[tilespmem:v14+s26+$0x0] =	vst.idx.msk $0xffff, v28  }
0x10d: {  	[tilespmem:v15+s26+$0x0] =	vst.idx.msk $0xffff, v49  }
0x10e: {  	[tilespmem:v16+s26+$0x0] =	vst.idx.msk $0xffff, v27  }
0x10f: {  	v27 =	vld [tilespmem:s3+$0x10330];
	_ =	sdelay $0x4  }
0x110: {  	v50 =	vsub.s32 v27, v3  }
0x111: {  	v27 =	vand.u32 $0x7, v27;
	v28 =	vand.u32 $0xFFFFFFF8, v50  }
0x112: {  	v27 =	vor.u32 v27, v28;
	_ =	sdelay $0x1  }
0x113: {  	v29 =	vld [tilespmem:$0x6030]  }
0x114: {  	v52 =	vld [tilespmem:$0x6130]  }
0x115: {  	v53 =	vld [tilespmem:$0x6230]  }
0x116: {  	v28 =	vld.idx.msk [tilespmem:v27+s2+$0x0], $0xffff  }
0x117: {  	v51 =	vld.idx.msk [tilespmem:v27+s17+$0x0], $0xffff  }
0x118: {  	v27 =	vld.idx.msk [tilespmem:v27+s18+$0x0], $0xffff;
	_ =	sdelay $0x2  }
0x119: {  	v28 =	vsub.f32 v28, v29  }
0x11a: {  	v54 =	vsub.f32 v51, v52  }
0x11b: {  	v27 =	vsub.f32 v27, v53;
	[tilespmem:v17+s26+$0x0] =	vst.idx.msk $0xffff, v28  }
0x11c: {  	[tilespmem:v18+s26+$0x0] =	vst.idx.msk $0xffff, v54  }
0x11d: {  	[tilespmem:v19+s26+$0x0] =	vst.idx.msk $0xffff, v27  }
0x11e: {  	v27 =	vld [tilespmem:s3+$0x10340];
	_ =	sdelay $0x4  }
0x11f: {  	v55 =	vsub.s32 v27, v3  }
0x120: {  	v27 =	vand.u32 $0x7, v27;
	v28 =	vand.u32 $0xFFFFFFF8, v55  }
0x121: {  	v27 =	vor.u32 v27, v28;
	_ =	sdelay $0x1  }
0x122: {  	v29 =	vld [tilespmem:$0x6040]  }
0x123: {  	v57 =	vld [tilespmem:$0x6140]  }
0x124: {  	v58 =	vld [tilespmem:$0x6240]  }
0x125: {  	v28 =	vld.idx.msk [tilespmem:v27+s2+$0x0], $0xffff  }
0x126: {  	v56 =	vld.idx.msk [tilespmem:v27+s17+$0x0], $0xffff  }
0x127: {  	v27 =	vld.idx.msk [tilespmem:v27+s18+$0x0], $0xffff;
	_ =	sdelay $0x2  }
0x128: {  	v28 =	vsub.f32 v28, v29  }
0x129: {  	v59 =	vsub.f32 v56, v57  }
0x12a: {  	v27 =	vsub.f32 v27, v58;
	[tilespmem:v20+s26+$0x0] =	vst.idx.msk $0xffff, v28  }
0x12b: {  	[tilespmem:v21+s26+$0x0] =	vst.idx.msk $0xffff, v59  }
0x12c: {  	[tilespmem:v22+s26+$0x0] =	vst.idx.msk $0xffff, v27  }
0x12d: {  	v27 =	vld [tilespmem:s3+$0x10350];
	_ =	sdelay $0x4  }
0x12e: {  	v60 =	vsub.s32 v27, v3  }
0x12f: {  	v27 =	vand.u32 $0x7, v27;
	v28 =	vand.u32 $0xFFFFFFF8, v60  }
0x130: {  	v27 =	vor.u32 v27, v28;
	_ =	sdelay $0x1  }
0x131: {  	v29 =	vld [tilespmem:$0x6050]  }
0x132: {  	v62 =	vld [tilespmem:$0x6150]  }
0x133: {  	v63 =	vld [tilespmem:$0x6250]  }
0x134: {  	v28 =	vld.idx.msk [tilespmem:v27+s2+$0x0], $0xffff  }
0x135: {  	v61 =	vld.idx.msk [tilespmem:v27+s17+$0x0], $0xffff  }
0x136: {  	v27 =	vld.idx.msk [tilespmem:v27+s18+$0x0], $0xffff;
	_ =	sdelay $0x2  }
0x137: {  	v28 =	vsub.f32 v28, v29  }
0x138: {  	v35 =	vsub.f32 v61, v62  }
0x139: {  	v27 =	vsub.f32 v27, v63;
	[tilespmem:v23+s26+$0x0] =	vst.idx.msk $0xffff, v28  }
0x13a: {  	[tilespmem:v24+s26+$0x0] =	vst.idx.msk $0xffff, v35  }
0x13b: {  	[tilespmem:v25+s26+$0x0] =	vst.idx.msk $0xffff, v27  }
0x13c: {  	v27 =	vld [tilespmem:s3+$0x10360];
	_ =	sdelay $0x4  }
0x13d: {  	v36 =	vsub.s32 v27, v3  }
0x13e: {  	v27 =	vand.u32 $0x7, v27;
	v28 =	vand.u32 $0xFFFFFFF8, v36  }
0x13f: {  	v27 =	vor.u32 v27, v28;
	_ =	sdelay $0x1  }
0x140: {  	v37 =	vld [tilespmem:$0x6060]  }
0x141: {  	v39 =	vld [tilespmem:$0x6160]  }
0x142: {  	v34 =	vld [tilespmem:$0x6260]  }
0x143: {  	v29 =	vld.idx.msk [tilespmem:v27+s2+$0x0], $0xffff  }
0x144: {  	v38 =	vld.idx.msk [tilespmem:v27+s17+$0x0], $0xffff  }
0x145: {  	v33 =	vld.idx.msk [tilespmem:v27+s18+$0x0], $0xffff  }
0x146: {  	v27 =	vor.u32 $0xC11, v2  }
0x147: {  	v28 =	vor.u32 $0xC12, v2  }
0x148: {  	v29 =	vsub.f32 v29, v37  }
0x149: {  	v40 =	vsub.f32 v38, v39  }
0x14a: {  	v41 =	vsub.f32 v33, v34;
	[tilespmem:v26+s26+$0x0] =	vst.idx.msk $0xffff, v29  }
0x14b: {  	[tilespmem:v27+s26+$0x0] =	vst.idx.msk $0xffff, v40  }
0x14c: {  	[tilespmem:v28+s26+$0x0] =	vst.idx.msk $0xffff, v41  }
0x14d: {  	v29 =	vld [tilespmem:s3+$0x10370];
	_ =	sdelay $0x4  }
0x14e: {  	v42 =	vsub.s32 v29, v3  }
0x14f: {  	v29 =	vand.u32 $0x7, v29;
	v30 =	vand.u32 $0xFFFFFFF8, v42  }
0x150: {  	v29 =	vor.u32 v29, v30;
	_ =	sdelay $0x1  }
0x151: {  	v44 =	vld [tilespmem:$0x6070]  }
0x152: {  	v35 =	vld [tilespmem:$0x6170]  }
0x153: {  	v37 =	vld [tilespmem:$0x6270]  }
0x154: {  	v43 =	vld.idx.msk [tilespmem:v29+s2+$0x0], $0xffff  }
0x155: {  	v45 =	vld.idx.msk [tilespmem:v29+s17+$0x0], $0xffff  }
0x156: {  	v36 =	vld.idx.msk [tilespmem:v29+s18+$0x0], $0xffff;
	v29 =	vor.u32 $0xE10, v2  }
0x157: {  	v30 =	vor.u32 $0xE11, v2  }
0x158: {  	v31 =	vor.u32 $0xE12, v2  }
0x159: {  	v32 =	vsub.f32 v43, v44  }
0x15a: {  	v46 =	vsub.f32 v45, v35  }
0x15b: {  	v47 =	vsub.f32 v36, v37;
	[tilespmem:v29+s26+$0x0] =	vst.idx.msk $0xffff, v32  }
0x15c: {  	[tilespmem:v30+s26+$0x0] =	vst.idx.msk $0xffff, v46  }
0x15d: {  	[tilespmem:v31+s26+$0x0] =	vst.idx.msk $0xffff, v47  }
0x15e: {  	[hbm4b:s14+s2] =	stream.linear.scatter [tilespmem:s26], [sflag:$0x4], $0x1000, $0x38;
	[tilespmem:$0x1C300] =	vst v63  }
0x15f: {  	p1 =	seq.s32 s31, $0x7C00;
	_ =	swait.ge [sflag:s16], $0x1000  }
0x160: {  	s6 =	simm.s32 @!p1 $0x80;
	s5 =	sshra.s32 @!p1 s31, $0x2;
	[sflag:s16] =	ssyncset.done $0x0  }
0x161: {  	s7 =	simm.s32 @!p1 $0x12300;
	s5 =	sadd.s32 @!p1 $0x10400, s5;
	[sflag:s16] =	ssyncadd.s32 $0xFFFFF000  }
0x162: {  	[tilespmem:s7], [sflag:$0x1] =	stream.indirect.gather @!p1 [spmem:s1], $0x20, s5, s6, $0xb8;
	[tilespmem:$0x1C300] =	vst v63  }
0x163: {  	_ =	swait.ge [sflag:s29], $0x1000  }
0x164: {  	[sflag:s29] =	ssyncset.done $0x0  }
0x165: {  	[sflag:s29] =	ssyncadd.s32 $0xFFFFF000  }
0x166: {  	v48 =	vld [tilespmem:s3+$0x10380];
	_ =	sdelay $0x4  }
0x167: {  	v49 =	vsub.s32 v48, v3  }
0x168: {  	v32 =	vand.u32 $0x7, v48;
	v33 =	vand.u32 $0xFFFFFFF8, v49  }
0x169: {  	v32 =	vor.u32 v32, v33;
	_ =	sdelay $0x1  }
0x16a: {  	v50 =	vld [tilespmem:$0x6080]  }
0x16b: {  	v52 =	vld [tilespmem:$0x6180]  }
0x16c: {  	v53 =	vld [tilespmem:$0x6280]  }
0x16d: {  	v33 =	vld.idx.msk [tilespmem:v32+s2+$0x0], $0xffff  }
0x16e: {  	v51 =	vld.idx.msk [tilespmem:v32+s17+$0x0], $0xffff  }
0x16f: {  	v32 =	vld.idx.msk [tilespmem:v32+s18+$0x0], $0xffff;
	_ =	sdelay $0x2  }
0x170: {  	v33 =	vsub.f32 v33, v50  }
0x171: {  	v54 =	vsub.f32 v51, v52  }
0x172: {  	v32 =	vsub.f32 v32, v53;
	[tilespmem:v8+s28+$0x0] =	vst.idx.msk $0xffff, v33  }
0x173: {  	[tilespmem:v9+s28+$0x0] =	vst.idx.msk $0xffff, v54  }
0x174: {  	[tilespmem:v10+s28+$0x0] =	vst.idx.msk $0xffff, v32  }
0x175: {  	v32 =	vld [tilespmem:s3+$0x10390];
	_ =	sdelay $0x4  }
0x176: {  	v55 =	vsub.s32 v32, v3  }
0x177: {  	v32 =	vand.u32 $0x7, v32;
	v33 =	vand.u32 $0xFFFFFFF8, v55  }
0x178: {  	v32 =	vor.u32 v32, v33;
	_ =	sdelay $0x1  }
0x179: {  	v34 =	vld [tilespmem:$0x6090]  }
0x17a: {  	v57 =	vld [tilespmem:$0x6190]  }
0x17b: {  	v58 =	vld [tilespmem:$0x6290]  }
0x17c: {  	v33 =	vld.idx.msk [tilespmem:v32+s2+$0x0], $0xffff  }
0x17d: {  	v56 =	vld.idx.msk [tilespmem:v32+s17+$0x0], $0xffff  }
0x17e: {  	v32 =	vld.idx.msk [tilespmem:v32+s18+$0x0], $0xffff;
	_ =	sdelay $0x2  }
0x17f: {  	v33 =	vsub.f32 v33, v34  }
0x180: {  	v59 =	vsub.f32 v56, v57  }
0x181: {  	v32 =	vsub.f32 v32, v58;
	[tilespmem:v11+s28+$0x0] =	vst.idx.msk $0xffff, v33  }
0x182: {  	[tilespmem:v12+s28+$0x0] =	vst.idx.msk $0xffff, v59  }
0x183: {  	[tilespmem:v13+s28+$0x0] =	vst.idx.msk $0xffff, v32  }
0x184: {  	v32 =	vld [tilespmem:s3+$0x103A0];
	_ =	sdelay $0x4  }
0x185: {  	v60 =	vsub.s32 v32, v3  }
0x186: {  	v32 =	vand.u32 $0x7, v32;
	v33 =	vand.u32 $0xFFFFFFF8, v60  }
0x187: {  	v32 =	vor.u32 v32, v33;
	_ =	sdelay $0x1  }
0x188: {  	v34 =	vld [tilespmem:$0x60A0]  }
0x189: {  	v62 =	vld [tilespmem:$0x61A0]  }
0x18a: {  	v63 =	vld [tilespmem:$0x62A0]  }
0x18b: {  	v33 =	vld.idx.msk [tilespmem:v32+s2+$0x0], $0xffff  }
0x18c: {  	v61 =	vld.idx.msk [tilespmem:v32+s17+$0x0], $0xffff  }
0x18d: {  	v32 =	vld.idx.msk [tilespmem:v32+s18+$0x0], $0xffff;
	_ =	sdelay $0x2  }
0x18e: {  	v33 =	vsub.f32 v33, v34  }
0x18f: {  	v40 =	vsub.f32 v61, v62  }
0x190: {  	v32 =	vsub.f32 v32, v63;
	[tilespmem:v14+s28+$0x0] =	vst.idx.msk $0xffff, v33  }
0x191: {  	[tilespmem:v15+s28+$0x0] =	vst.idx.msk $0xffff, v40  }
0x192: {  	[tilespmem:v16+s28+$0x0] =	vst.idx.msk $0xffff, v32  }
0x193: {  	v32 =	vld [tilespmem:s3+$0x103B0];
	_ =	sdelay $0x4  }
0x194: {  	v41 =	vsub.s32 v32, v3  }
0x195: {  	v32 =	vand.u32 $0x7, v32;
	v33 =	vand.u32 $0xFFFFFFF8, v41  }
0x196: {  	v32 =	vor.u32 v32, v33;
	_ =	sdelay $0x1  }
0x197: {  	v34 =	vld [tilespmem:$0x60B0]  }
0x198: {  	v43 =	vld [tilespmem:$0x61B0]  }
0x199: {  	v44 =	vld [tilespmem:$0x62B0]  }
0x19a: {  	v33 =	vld.idx.msk [tilespmem:v32+s2+$0x0], $0xffff  }
0x19b: {  	v42 =	vld.idx.msk [tilespmem:v32+s17+$0x0], $0xffff  }
0x19c: {  	v32 =	vld.idx.msk [tilespmem:v32+s18+$0x0], $0xffff;
	_ =	sdelay $0x2  }
0x19d: {  	v33 =	vsub.f32 v33, v34  }
0x19e: {  	v45 =	vsub.f32 v42, v43  }
0x19f: {  	v32 =	vsub.f32 v32, v44;
	[tilespmem:v17+s28+$0x0] =	vst.idx.msk $0xffff, v33  }
0x1a0: {  	[tilespmem:v18+s28+$0x0] =	vst.idx.msk $0xffff, v45  }
0x1a1: {  	[tilespmem:v19+s28+$0x0] =	vst.idx.msk $0xffff, v32  }
0x1a2: {  	v32 =	vld [tilespmem:s3+$0x103C0];
	_ =	sdelay $0x4  }
0x1a3: {  	v46 =	vsub.s32 v32, v3  }
0x1a4: {  	v32 =	vand.u32 $0x7, v32;
	v33 =	vand.u32 $0xFFFFFFF8, v46  }
0x1a5: {  	v32 =	vor.u32 v32, v33;
	_ =	sdelay $0x1  }
0x1a6: {  	v34 =	vld [tilespmem:$0x60C0]  }
0x1a7: {  	v48 =	vld [tilespmem:$0x61C0]  }
0x1a8: {  	v49 =	vld [tilespmem:$0x62C0]  }
0x1a9: {  	v33 =	vld.idx.msk [tilespmem:v32+s2+$0x0], $0xffff  }
0x1aa: {  	v47 =	vld.idx.msk [tilespmem:v32+s17+$0x0], $0xffff  }
0x1ab: {  	v32 =	vld.idx.msk [tilespmem:v32+s18+$0x0], $0xffff;
	_ =	sdelay $0x2  }
0x1ac: {  	v33 =	vsub.f32 v33, v34  }
0x1ad: {  	v50 =	vsub.f32 v47, v48  }
0x1ae: {  	v32 =	vsub.f32 v32, v49;
	[tilespmem:v20+s28+$0x0] =	vst.idx.msk $0xffff, v33  }
0x1af: {  	[tilespmem:v21+s28+$0x0] =	vst.idx.msk $0xffff, v50  }
0x1b0: {  	[tilespmem:v22+s28+$0x0] =	vst.idx.msk $0xffff, v32  }
0x1b1: {  	v32 =	vld [tilespmem:s3+$0x103D0];
	_ =	sdelay $0x4  }
0x1b2: {  	v51 =	vsub.s32 v32, v3  }
0x1b3: {  	v32 =	vand.u32 $0x7, v32;
	v33 =	vand.u32 $0xFFFFFFF8, v51  }
0x1b4: {  	v32 =	vor.u32 v32, v33;
	_ =	sdelay $0x1  }
0x1b5: {  	v34 =	vld [tilespmem:$0x60D0]  }
0x1b6: {  	v53 =	vld [tilespmem:$0x61D0]  }
0x1b7: {  	v54 =	vld [tilespmem:$0x62D0]  }
0x1b8: {  	v33 =	vld.idx.msk [tilespmem:v32+s2+$0x0], $0xffff  }
0x1b9: {  	v52 =	vld.idx.msk [tilespmem:v32+s17+$0x0], $0xffff  }
0x1ba: {  	v32 =	vld.idx.msk [tilespmem:v32+s18+$0x0], $0xffff;
	_ =	sdelay $0x2  }
0x1bb: {  	v33 =	vsub.f32 v33, v34  }
0x1bc: {  	v55 =	vsub.f32 v52, v53  }
0x1bd: {  	v32 =	vsub.f32 v32, v54;
	[tilespmem:v23+s28+$0x0] =	vst.idx.msk $0xffff, v33  }
0x1be: {  	[tilespmem:v24+s28+$0x0] =	vst.idx.msk $0xffff, v55  }
0x1bf: {  	[tilespmem:v25+s28+$0x0] =	vst.idx.msk $0xffff, v32  }
0x1c0: {  	v32 =	vld [tilespmem:s3+$0x103E0];
	_ =	sdelay $0x4  }
0x1c1: {  	v56 =	vsub.s32 v32, v3  }
0x1c2: {  	v32 =	vand.u32 $0x7, v32;
	v33 =	vand.u32 $0xFFFFFFF8, v56  }
0x1c3: {  	v32 =	vor.u32 v32, v33;
	_ =	sdelay $0x1  }
0x1c4: {  	v34 =	vld [tilespmem:$0x60E0]  }
0x1c5: {  	v58 =	vld [tilespmem:$0x61E0]  }
0x1c6: {  	v59 =	vld [tilespmem:$0x62E0]  }
0x1c7: {  	v33 =	vld.idx.msk [tilespmem:v32+s2+$0x0], $0xffff  }
0x1c8: {  	v57 =	vld.idx.msk [tilespmem:v32+s17+$0x0], $0xffff  }
0x1c9: {  	v32 =	vld.idx.msk [tilespmem:v32+s18+$0x0], $0xffff;
	_ =	sdelay $0x2  }
0x1ca: {  	v33 =	vsub.f32 v33, v34  }
0x1cb: {  	v60 =	vsub.f32 v57, v58  }
0x1cc: {  	v32 =	vsub.f32 v32, v59;
	[tilespmem:v26+s28+$0x0] =	vst.idx.msk $0xffff, v33  }
0x1cd: {  	[tilespmem:v27+s28+$0x0] =	vst.idx.msk $0xffff, v60  }
0x1ce: {  	[tilespmem:v28+s28+$0x0] =	vst.idx.msk $0xffff, v32  }
0x1cf: {  	v27 =	vld [tilespmem:s3+$0x103F0];
	_ =	sdelay $0x4  }
0x1d0: {  	v61 =	vsub.s32 v27, v3  }
0x1d1: {  	v27 =	vand.u32 $0x7, v27;
	v28 =	vand.u32 $0xFFFFFFF8, v61  }
0x1d2: {  	v27 =	vor.u32 v27, v28;
	_ =	sdelay $0x1  }
0x1d3: {  	v32 =	vld [tilespmem:$0x60F0]  }
0x1d4: {  	v34 =	vld [tilespmem:$0x61F0]  }
0x1d5: {  	v62 =	vld [tilespmem:$0x62F0]  }
0x1d6: {  	v28 =	vld.idx.msk [tilespmem:v27+s2+$0x0], $0xffff  }
0x1d7: {  	v33 =	vld.idx.msk [tilespmem:v27+s17+$0x0], $0xffff  }
0x1d8: {  	v27 =	vld.idx.msk [tilespmem:v27+s18+$0x0], $0xffff;
	_ =	sdelay $0x2  }
0x1d9: {  	v28 =	vsub.f32 v28, v32  }
0x1da: {  	v63 =	vsub.f32 v33, v34  }
0x1db: {  	s31 =	sadd.s32 $0x400, s31;
	v27 =	vsub.f32 v27, v62;
	[tilespmem:v29+s28+$0x0] =	vst.idx.msk $0xffff, v28  }
0x1dc: {  	p1 =	sne.s32 s31, $0x8000;
	[tilespmem:v30+s28+$0x0] =	vst.idx.msk $0xffff, v63  }
.Ltmp6:
0x1dd: {  	s10 =	sadd.s32 $0x200, s14;
	[tilespmem:v31+s28+$0x0] =	vst.idx.msk $0xffff, v27;
	(pc) =	sbr.rel @p1 .LBB2_10-.Ltmp6, $4  }
0x1de: {  	[hbm4b:s10+s2] =	stream.linear.scatter [tilespmem:s28], [sflag:$0x4], $0x1000, $0x38;
	[tilespmem:$0x1C300] =	vst v63  }
0x1df: {  	_ =	swait.ge [sflag:s16], $0x1000  }
0x1e0: {  	[sflag:s16] =	ssyncset.done $0x0  }
0x1e1: {  	s14 =	sadd.s32 $0x8000, s14;
	[sflag:s16] =	ssyncadd.s32 $0xFFFFF000  }
0x1e2: {  	s30 =	sadd.s32 $0x1, s30  }
0x1e3: {  	p1 =	sne.s32 s30, s13  }
.Ltmp7:
0x1e4: {  	_ = 	snop;
	(pc) =	sbr.rel @p1 .LBB2_1-.Ltmp7, $1  }
0x1e5: {  	_ =	sdelay $0x3  }
0x1e6: {  	_ =	sfence.sel $0x180000  }
0x1e7: {  	[bflag:$0x0] =	sbarrier.arrive $0xFFFF  }
0x1e8: {  	_ =	strace $0x90000047  }
0x1e9: {  	s0 =	stileid.u32;
	[bflag:$0x2] =	sbarrier.arrive $0xFFFF  }
0x1ea: {  	p0 =	sne.s32 s0, $0x0;
	s0 =	rddreg [dreg:$0x3]  }
0x1eb: {  	s0 =	sadd.s32 @!p0 $0x100000, s0  }
0x1ec: {  	[sflag:s0] =	ssyncadd.tile.s32 @!p0 $0x1;
	_ =	shalt  }
.Lfunc_end2:
_tile_overlayer_lowered:
.L_overlay_start_2:
0x1ed: {  	(tag) =	ssettag $0x2  }
0x1ee: {  	s0 =	rddreg [dreg:$0x0];
	s2 =	stileid.u32  }
0x1ef: {  	s1 =	rddreg [dreg:$0x1];
	p0 =	sne.s32 s2, $0x0  }
0x1f0: {  	s3 =	rddreg [dreg:$0x2];
	[bflag:$0x3] =	sbarrier.arrive $0xFFFF;
	s2 =	simm.s32 @!p0 $0x1C04  }
0x1f1: {  	[timem:s3], [sflag:s2] =	dma.local @!p0 [hbm:s0], s1  }
0x1f2: {  	s0 =	simm.s32 @!p0 $0x4  }
0x1f3: {  	_ =	swait.ge @!p0 [sflag:s0], s1  }
0x1f4: {  	s1 =	ssub.s32 @!p0 $0x0, s1;
	[sflag:s0] =	ssyncset.done @!p0 $0x0  }
0x1f5: {  	[sflag:s0] =	ssyncadd.s32 @!p0 s1  }
0x1f6: {  	[bflag:$0x3] =	sbarrier.arrive $0xFFFF  }
0x1f7: {  	_ =	shalt  }

</sc_bundles>
